<compile_context>
chip_gen: v7x
topology: tpu7x:2x2x1
jax: 0.10.2.dev20260603
libtpu: 0.0.44.dev20260713+nightly
codegen_flags: <defaults>
</compile_context>

<pallas_src>
import functools

import jax
from jax import lax
from jax.experimental import pallas as pl
from jax.experimental.pallas import tpu as pltpu
from jax.experimental.pallas import tpu_sc as plsc


def _make_broadcast_copy(B, L, D, dtype):
    info = plsc.get_sparse_core_info()
    num_workers = info.num_cores * info.num_subcores
    assert L % num_workers == 0
    rows_per_w = L // num_workers

    mesh = plsc.VectorSubcoreMesh(core_axis_name="c", subcore_axis_name="s")

    CHUNK = 8
    NBUF = 8
    n_chunks = rows_per_w // CHUNK
    assert n_chunks % NBUF == 0 and n_chunks >= 2 * NBUF

    @functools.partial(
        pl.kernel,
        out_type=jax.ShapeDtypeStruct((B, L, D), dtype),
        mesh=mesh,
        scratch_types=[pltpu.VMEM((NBUF * CHUNK, D), dtype)]
        + [pltpu.SemaphoreType.DMA] * (2 * NBUF),
    )
    def broadcast_copy(table_hbm, out_hbm, bufs, *sems):
        rsems = sems[:NBUF]
        wsems = sems[NBUF:]
        wid = lax.axis_index("c") * info.num_subcores + lax.axis_index("s")
        base = wid * rows_per_w

        def buf(k):
            return bufs.at[pl.ds(k * CHUNK, CHUNK)]

        def issue_read(i, k):
            pltpu.async_copy(
                table_hbm.at[pl.ds(base + i * CHUNK, CHUNK)],
                buf(k),
                rsems[k],
            )

        def wait_read(k):
            pltpu.make_async_copy(
                table_hbm.at[pl.ds(base, CHUNK)], buf(k), rsems[k]
            ).wait()

        def issue_writes(i, k):
            for b in range(B):
                pltpu.async_copy(
                    buf(k),
                    out_hbm.at[b, pl.ds(base + i * CHUNK, CHUNK)],
                    wsems[k],
                )

        def wait_writes(k):
            pltpu.make_async_copy(
                table_hbm.at[pl.ds(base, B * CHUNK)],
                bufs.at[pl.ds(0, B * CHUNK)],
                wsems[k],
            ).wait()

        for k in range(NBUF):
            issue_read(k, k)

        def step(g, carry):
            i0 = g * NBUF
            for k in range(NBUF):
                wait_read(k)
                issue_writes(i0 + k, k)
            for k in range(NBUF):
                nxt = i0 + NBUF + k
                wait_writes(k)

                @pl.when(nxt < n_chunks)
                def _issue(nxt=nxt, k=k):
                    issue_read(nxt, k)

            return carry

        lax.fori_loop(0, n_chunks // NBUF, step, 0)

    return broadcast_copy


def kernel(x, embedding_table):
    B, L, D = x.shape
    fn = _make_broadcast_copy(B, L, D, embedding_table.dtype)
    return fn(embedding_table)

# --- scband reference (transcript-rebuilt; emitter-appended) ---
"""Pipeline reference for scband-fixed-embedding-3925600108587 (READ-ONLY COPY).

The authoritative reference and input builder live on the scoring server;
editing this copy changes nothing except your own understanding.
"""

import jax, jax.numpy as jnp
import numpy as np

MAX_LENGTH = 8192
FEATURES = 1024
BATCH = 4
SEQ_LEN = 8192


def setup_inputs(seed: int = 0) -> dict:
    key = jax.random.key(seed)
    k_x, k_emb = jax.random.split(key)
    x = jax.random.normal(k_x, (BATCH, SEQ_LEN, FEATURES), dtype=jnp.float32)
    # nn.Embedding default init: N(0, 1)
    embedding_table = jax.random.normal(k_emb, (MAX_LENGTH, FEATURES), dtype=jnp.float32)
    return {"x": x, "embedding_table": embedding_table}


def reference(x, embedding_table):
    batch_size = x.shape[0]
    length = x.shape[1]
    # assert length <= max_length (static check)
    position = jnp.arange(length)
    fixed_embedding = jnp.take(embedding_table, position, axis=0)  # [L, D]
    fixed_embedding = jnp.broadcast_to(
        fixed_embedding[None, :, :], (batch_size, length, fixed_embedding.shape[-1])
    )  # repeat 'n d -> b n d'
    return fixed_embedding

if __name__ == "__main__":
    import jax
    _d = setup_inputs()
    print(jax.jit(kernel)(*tuple(_d.values())))

</pallas_src>

<mosaic_0001>
#map = affine_map<(d0, d1) -> (0, 0)>
#map1 = affine_map<(d0, d1) -> (0, 0, 0)>
module attributes {stable_mosaic.version = 14 : i64} {
  func.func @broadcast_copy(%arg0: i32, %arg1: i32, %arg2: memref<8192x1024xf32, #tpu.memory_space<hbm>>, %arg3: memref<4x8192x1024xf32, #tpu.memory_space<hbm>>, %arg4: memref<64x1024xf32, #tpu.memory_space<vmem>>, %arg5: memref<!tpu.dma_semaphore, #tpu.memory_space<semaphore_mem>>, %arg6: memref<!tpu.dma_semaphore, #tpu.memory_space<semaphore_mem>>, %arg7: memref<!tpu.dma_semaphore, #tpu.memory_space<semaphore_mem>>, %arg8: memref<!tpu.dma_semaphore, #tpu.memory_space<semaphore_mem>>, %arg9: memref<!tpu.dma_semaphore, #tpu.memory_space<semaphore_mem>>, %arg10: memref<!tpu.dma_semaphore, #tpu.memory_space<semaphore_mem>>, %arg11: memref<!tpu.dma_semaphore, #tpu.memory_space<semaphore_mem>>, %arg12: memref<!tpu.dma_semaphore, #tpu.memory_space<semaphore_mem>>, %arg13: memref<!tpu.dma_semaphore, #tpu.memory_space<semaphore_mem>>, %arg14: memref<!tpu.dma_semaphore, #tpu.memory_space<semaphore_mem>>, %arg15: memref<!tpu.dma_semaphore, #tpu.memory_space<semaphore_mem>>, %arg16: memref<!tpu.dma_semaphore, #tpu.memory_space<semaphore_mem>>, %arg17: memref<!tpu.dma_semaphore, #tpu.memory_space<semaphore_mem>>, %arg18: memref<!tpu.dma_semaphore, #tpu.memory_space<semaphore_mem>>, %arg19: memref<!tpu.dma_semaphore, #tpu.memory_space<semaphore_mem>>, %arg20: memref<!tpu.dma_semaphore, #tpu.memory_space<semaphore_mem>>) attributes {dimension_semantics = [#tpu.dimension_semantics<core_parallel>, #tpu.dimension_semantics<subcore_parallel>], iteration_bounds = array<i64: 2, 16>, scalar_prefetch = 0 : i64, scratch_operands = 17 : i64, tpu.core_type = #tpu.core_type<sc_vector_subcore>, window_params = [{transform_indices = #map}, {transform_indices = #map1}]} {
    %mul3A = arith.constant 16 : i32
    %mul3A_0 = arith.muli %arg0, %mul3A : i32
    %add3A = arith.addi %mul3A_0, %arg1 : i32
    %mul3A_1 = arith.constant 256 : i32
    %mul3A_2 = arith.muli %add3A, %mul3A_1 : i32
    %add3A_3 = arith.constant 0 : i32
    %add3A_4 = arith.addi %mul3A_2, %add3A_3 : i32
    %dma_start3A = arith.constant 0 : i32
    %dma_start3A_5 = arith.constant 0 : i32
    %dma_start3A_6 = tpu.memref_slice %arg4[%dma_start3A, %dma_start3A_5] : memref<64x1024xf32, #tpu.memory_space<vmem>> -> memref<8x1024xf32, #tpu.memory_space<vmem>>
    %dma_start3A_7 = arith.constant 0 : i32
    %dma_start3A_8 = tpu.memref_slice %arg2[%add3A_4, %dma_start3A_7] : memref<8192x1024xf32, #tpu.memory_space<hbm>> -> memref<8x1024xf32, #tpu.memory_space<hbm>>
    %dma_start3A_9 = arith.constant 0 : i32
    %dma_start3A_10 = arith.constant 0 : i32
    %dma_start3A_11 = tpu.memref_slice %arg4[%dma_start3A_9, %dma_start3A_10] : memref<64x1024xf32, #tpu.memory_space<vmem>> -> memref<8x1024xf32, #tpu.memory_space<vmem>>
    %dma_start3A_12 = arith.constant 0 : i32
    %dma_start3A_13 = tpu.memref_slice %arg2[%add3A_4, %dma_start3A_12] : memref<8192x1024xf32, #tpu.memory_space<hbm>> -> memref<8x1024xf32, #tpu.memory_space<hbm>>
    tpu.enqueue_dma source(%dma_start3A_13 : memref<8x1024xf32, #tpu.memory_space<hbm>>) target(%dma_start3A_11 : memref<8x1024xf32, #tpu.memory_space<vmem>>) target_semaphore(%arg5 : memref<!tpu.dma_semaphore, #tpu.memory_space<semaphore_mem>>)
    %add3A_14 = arith.constant 8 : i32
    %add3A_15 = arith.addi %mul3A_2, %add3A_14 : i32
    %dma_start3A_16 = arith.constant 8 : i32
    %dma_start3A_17 = arith.constant 0 : i32
    %dma_start3A_18 = tpu.memref_slice %arg4[%dma_start3A_16, %dma_start3A_17] : memref<64x1024xf32, #tpu.memory_space<vmem>> -> memref<8x1024xf32, #tpu.memory_space<vmem>>
    %dma_start3A_19 = arith.constant 0 : i32
    %dma_start3A_20 = tpu.memref_slice %arg2[%add3A_15, %dma_start3A_19] : memref<8192x1024xf32, #tpu.memory_space<hbm>> -> memref<8x1024xf32, #tpu.memory_space<hbm>>
    %dma_start3A_21 = arith.constant 8 : i32
    %dma_start3A_22 = arith.constant 0 : i32
    %dma_start3A_23 = tpu.memref_slice %arg4[%dma_start3A_21, %dma_start3A_22] : memref<64x1024xf32, #tpu.memory_space<vmem>> -> memref<8x1024xf32, #tpu.memory_space<vmem>>
    %dma_start3A_24 = arith.constant 0 : i32
    %dma_start3A_25 = tpu.memref_slice %arg2[%add3A_15, %dma_start3A_24] : memref<8192x1024xf32, #tpu.memory_space<hbm>> -> memref<8x1024xf32, #tpu.memory_space<hbm>>
    tpu.enqueue_dma source(%dma_start3A_25 : memref<8x1024xf32, #tpu.memory_space<hbm>>) target(%dma_start3A_23 : memref<8x1024xf32, #tpu.memory_space<vmem>>) target_semaphore(%arg6 : memref<!tpu.dma_semaphore, #tpu.memory_space<semaphore_mem>>)
    %add3A_26 = arith.constant 16 : i32
    %add3A_27 = arith.addi %mul3A_2, %add3A_26 : i32
    %dma_start3A_28 = arith.constant 16 : i32
    %dma_start3A_29 = arith.constant 0 : i32
    %dma_start3A_30 = tpu.memref_slice %arg4[%dma_start3A_28, %dma_start3A_29] : memref<64x1024xf32, #tpu.memory_space<vmem>> -> memref<8x1024xf32, #tpu.memory_space<vmem>>
    %dma_start3A_31 = arith.constant 0 : i32
    %dma_start3A_32 = tpu.memref_slice %arg2[%add3A_27, %dma_start3A_31] : memref<8192x1024xf32, #tpu.memory_space<hbm>> -> memref<8x1024xf32, #tpu.memory_space<hbm>>
    %dma_start3A_33 = arith.constant 16 : i32
    %dma_start3A_34 = arith.constant 0 : i32
    %dma_start3A_35 = tpu.memref_slice %arg4[%dma_start3A_33, %dma_start3A_34] : memref<64x1024xf32, #tpu.memory_space<vmem>> -> memref<8x1024xf32, #tpu.memory_space<vmem>>
    %dma_start3A_36 = arith.constant 0 : i32
    %dma_start3A_37 = tpu.memref_slice %arg2[%add3A_27, %dma_start3A_36] : memref<8192x1024xf32, #tpu.memory_space<hbm>> -> memref<8x1024xf32, #tpu.memory_space<hbm>>
    tpu.enqueue_dma source(%dma_start3A_37 : memref<8x1024xf32, #tpu.memory_space<hbm>>) target(%dma_start3A_35 : memref<8x1024xf32, #tpu.memory_space<vmem>>) target_semaphore(%arg7 : memref<!tpu.dma_semaphore, #tpu.memory_space<semaphore_mem>>)
    %add3A_38 = arith.constant 24 : i32
    %add3A_39 = arith.addi %mul3A_2, %add3A_38 : i32
    %dma_start3A_40 = arith.constant 24 : i32
    %dma_start3A_41 = arith.constant 0 : i32
    %dma_start3A_42 = tpu.memref_slice %arg4[%dma_start3A_40, %dma_start3A_41] : memref<64x1024xf32, #tpu.memory_space<vmem>> -> memref<8x1024xf32, #tpu.memory_space<vmem>>
    %dma_start3A_43 = arith.constant 0 : i32
    %dma_start3A_44 = tpu.memref_slice %arg2[%add3A_39, %dma_start3A_43] : memref<8192x1024xf32, #tpu.memory_space<hbm>> -> memref<8x1024xf32, #tpu.memory_space<hbm>>
    %dma_start3A_45 = arith.constant 24 : i32
    %dma_start3A_46 = arith.constant 0 : i32
    %dma_start3A_47 = tpu.memref_slice %arg4[%dma_start3A_45, %dma_start3A_46] : memref<64x1024xf32, #tpu.memory_space<vmem>> -> memref<8x1024xf32, #tpu.memory_space<vmem>>
    %dma_start3A_48 = arith.constant 0 : i32
    %dma_start3A_49 = tpu.memref_slice %arg2[%add3A_39, %dma_start3A_48] : memref<8192x1024xf32, #tpu.memory_space<hbm>> -> memref<8x1024xf32, #tpu.memory_space<hbm>>
    tpu.enqueue_dma source(%dma_start3A_49 : memref<8x1024xf32, #tpu.memory_space<hbm>>) target(%dma_start3A_47 : memref<8x1024xf32, #tpu.memory_space<vmem>>) target_semaphore(%arg8 : memref<!tpu.dma_semaphore, #tpu.memory_space<semaphore_mem>>)
    %add3A_50 = arith.constant 32 : i32
    %add3A_51 = arith.addi %mul3A_2, %add3A_50 : i32
    %dma_start3A_52 = arith.constant 32 : i32
    %dma_start3A_53 = arith.constant 0 : i32
    %dma_start3A_54 = tpu.memref_slice %arg4[%dma_start3A_52, %dma_start3A_53] : memref<64x1024xf32, #tpu.memory_space<vmem>> -> memref<8x1024xf32, #tpu.memory_space<vmem>>
    %dma_start3A_55 = arith.constant 0 : i32
    %dma_start3A_56 = tpu.memref_slice %arg2[%add3A_51, %dma_start3A_55] : memref<8192x1024xf32, #tpu.memory_space<hbm>> -> memref<8x1024xf32, #tpu.memory_space<hbm>>
    %dma_start3A_57 = arith.constant 32 : i32
    %dma_start3A_58 = arith.constant 0 : i32
    %dma_start3A_59 = tpu.memref_slice %arg4[%dma_start3A_57, %dma_start3A_58] : memref<64x1024xf32, #tpu.memory_space<vmem>> -> memref<8x1024xf32, #tpu.memory_space<vmem>>
    %dma_start3A_60 = arith.constant 0 : i32
    %dma_start3A_61 = tpu.memref_slice %arg2[%add3A_51, %dma_start3A_60] : memref<8192x1024xf32, #tpu.memory_space<hbm>> -> memref<8x1024xf32, #tpu.memory_space<hbm>>
    tpu.enqueue_dma source(%dma_start3A_61 : memref<8x1024xf32, #tpu.memory_space<hbm>>) target(%dma_start3A_59 : memref<8x1024xf32, #tpu.memory_space<vmem>>) target_semaphore(%arg9 : memref<!tpu.dma_semaphore, #tpu.memory_space<semaphore_mem>>)
    %add3A_62 = arith.constant 40 : i32
    %add3A_63 = arith.addi %mul3A_2, %add3A_62 : i32
    %dma_start3A_64 = arith.constant 40 : i32
    %dma_start3A_65 = arith.constant 0 : i32
    %dma_start3A_66 = tpu.memref_slice %arg4[%dma_start3A_64, %dma_start3A_65] : memref<64x1024xf32, #tpu.memory_space<vmem>> -> memref<8x1024xf32, #tpu.memory_space<vmem>>
    %dma_start3A_67 = arith.constant 0 : i32
    %dma_start3A_68 = tpu.memref_slice %arg2[%add3A_63, %dma_start3A_67] : memref<8192x1024xf32, #tpu.memory_space<hbm>> -> memref<8x1024xf32, #tpu.memory_space<hbm>>
    %dma_start3A_69 = arith.constant 40 : i32
    %dma_start3A_70 = arith.constant 0 : i32
    %dma_start3A_71 = tpu.memref_slice %arg4[%dma_start3A_69, %dma_start3A_70] : memref<64x1024xf32, #tpu.memory_space<vmem>> -> memref<8x1024xf32, #tpu.memory_space<vmem>>
    %dma_start3A_72 = arith.constant 0 : i32
    %dma_start3A_73 = tpu.memref_slice %arg2[%add3A_63, %dma_start3A_72] : memref<8192x1024xf32, #tpu.memory_space<hbm>> -> memref<8x1024xf32, #tpu.memory_space<hbm>>
    tpu.enqueue_dma source(%dma_start3A_73 : memref<8x1024xf32, #tpu.memory_space<hbm>>) target(%dma_start3A_71 : memref<8x1024xf32, #tpu.memory_space<vmem>>) target_semaphore(%arg10 : memref<!tpu.dma_semaphore, #tpu.memory_space<semaphore_mem>>)
    %add3A_74 = arith.constant 48 : i32
    %add3A_75 = arith.addi %mul3A_2, %add3A_74 : i32
    %dma_start3A_76 = arith.constant 48 : i32
    %dma_start3A_77 = arith.constant 0 : i32
    %dma_start3A_78 = tpu.memref_slice %arg4[%dma_start3A_76, %dma_start3A_77] : memref<64x1024xf32, #tpu.memory_space<vmem>> -> memref<8x1024xf32, #tpu.memory_space<vmem>>
    %dma_start3A_79 = arith.constant 0 : i32
    %dma_start3A_80 = tpu.memref_slice %arg2[%add3A_75, %dma_start3A_79] : memref<8192x1024xf32, #tpu.memory_space<hbm>> -> memref<8x1024xf32, #tpu.memory_space<hbm>>
    %dma_start3A_81 = arith.constant 48 : i32
    %dma_start3A_82 = arith.constant 0 : i32
    %dma_start3A_83 = tpu.memref_slice %arg4[%dma_start3A_81, %dma_start3A_82] : memref<64x1024xf32, #tpu.memory_space<vmem>> -> memref<8x1024xf32, #tpu.memory_space<vmem>>
    %dma_start3A_84 = arith.constant 0 : i32
    %dma_start3A_85 = tpu.memref_slice %arg2[%add3A_75, %dma_start3A_84] : memref<8192x1024xf32, #tpu.memory_space<hbm>> -> memref<8x1024xf32, #tpu.memory_space<hbm>>
    tpu.enqueue_dma source(%dma_start3A_85 : memref<8x1024xf32, #tpu.memory_space<hbm>>) target(%dma_start3A_83 : memref<8x1024xf32, #tpu.memory_space<vmem>>) target_semaphore(%arg11 : memref<!tpu.dma_semaphore, #tpu.memory_space<semaphore_mem>>)
    %add3A_86 = arith.constant 56 : i32
    %add3A_87 = arith.addi %mul3A_2, %add3A_86 : i32
    %dma_start3A_88 = arith.constant 56 : i32
    %dma_start3A_89 = arith.constant 0 : i32
    %dma_start3A_90 = tpu.memref_slice %arg4[%dma_start3A_88, %dma_start3A_89] : memref<64x1024xf32, #tpu.memory_space<vmem>> -> memref<8x1024xf32, #tpu.memory_space<vmem>>
    %dma_start3A_91 = arith.constant 0 : i32
    %dma_start3A_92 = tpu.memref_slice %arg2[%add3A_87, %dma_start3A_91] : memref<8192x1024xf32, #tpu.memory_space<hbm>> -> memref<8x1024xf32, #tpu.memory_space<hbm>>
    %dma_start3A_93 = arith.constant 56 : i32
    %dma_start3A_94 = arith.constant 0 : i32
    %dma_start3A_95 = tpu.memref_slice %arg4[%dma_start3A_93, %dma_start3A_94] : memref<64x1024xf32, #tpu.memory_space<vmem>> -> memref<8x1024xf32, #tpu.memory_space<vmem>>
    %dma_start3A_96 = arith.constant 0 : i32
    %dma_start3A_97 = tpu.memref_slice %arg2[%add3A_87, %dma_start3A_96] : memref<8192x1024xf32, #tpu.memory_space<hbm>> -> memref<8x1024xf32, #tpu.memory_space<hbm>>
    tpu.enqueue_dma source(%dma_start3A_97 : memref<8x1024xf32, #tpu.memory_space<hbm>>) target(%dma_start3A_95 : memref<8x1024xf32, #tpu.memory_space<vmem>>) target_semaphore(%arg12 : memref<!tpu.dma_semaphore, #tpu.memory_space<semaphore_mem>>)
    %scan3A = arith.constant 0 : i32
    %scan3A_98 = arith.constant 0 : i32
    %scan3A_99 = arith.constant 4 : i32
    %scan3A_100 = arith.addi %scan3A_98, %scan3A_99 : i32
    %scan3A_101 = arith.constant 1 : i32
    scf.for %scan3A_103 = %scan3A_98 to %scan3A_100 step %scan3A_101  : i32 {
      %mul3A_104 = arith.constant 8 : i32
      %mul3A_105 = arith.muli %scan3A_103, %mul3A_104 : i32
      %dma_wait3A = arith.constant 0 : i32
      %dma_wait3A_106 = arith.constant 0 : i32
      %dma_wait3A_107 = tpu.memref_slice %arg4[%dma_wait3A, %dma_wait3A_106] : memref<64x1024xf32, #tpu.memory_space<vmem>> -> memref<8x1024xf32, #tpu.memory_space<vmem>>
      %dma_wait3A_108 = arith.constant 0 : i32
      %dma_wait3A_109 = tpu.memref_slice %arg2[%mul3A_2, %dma_wait3A_108] : memref<8192x1024xf32, #tpu.memory_space<hbm>> -> memref<8x1024xf32, #tpu.memory_space<hbm>>
      %dma_wait3A_110 = arith.constant 0 : i32
      %dma_wait3A_111 = arith.constant 0 : i32
      %dma_wait3A_112 = tpu.memref_slice %arg4[%dma_wait3A_110, %dma_wait3A_111] : memref<64x1024xf32, #tpu.memory_space<vmem>> -> memref<8x1024xf32, #tpu.memory_space<vmem>>
      %dma_wait3A_113 = arith.constant 0 : i32
      %dma_wait3A_114 = tpu.memref_slice %arg2[%mul3A_2, %dma_wait3A_113] : memref<8192x1024xf32, #tpu.memory_space<hbm>> -> memref<8x1024xf32, #tpu.memory_space<hbm>>
      tpu.wait_dma2 semaphore(%arg5 : memref<!tpu.dma_semaphore, #tpu.memory_space<semaphore_mem>>) src(%dma_wait3A_114 : memref<8x1024xf32, #tpu.memory_space<hbm>>) dst(%dma_wait3A_112 : memref<8x1024xf32, #tpu.memory_space<vmem>>)
      %add3A_115 = arith.constant 0 : i32
      %add3A_116 = arith.addi %mul3A_105, %add3A_115 : i32
      %mul3A_117 = arith.constant 8 : i32
      %mul3A_118 = arith.muli %add3A_116, %mul3A_117 : i32
      %add3A_119 = arith.addi %mul3A_2, %mul3A_118 : i32
      %dma_start3A_120 = arith.constant 0 : i32
      %dma_start3A_121 = arith.constant 0 : i32
      %dma_start3A_122 = arith.constant 0 : i32
      %dma_start3A_123 = tpu.memref_slice %arg4[%dma_start3A_121, %dma_start3A_122] : memref<64x1024xf32, #tpu.memory_space<vmem>> -> memref<8x1024xf32, #tpu.memory_space<vmem>>
      %dma_start3A_124 = arith.constant 0 : i32
      %dma_start3A_125 = tpu.memref_slice %arg3[%dma_start3A_120, %add3A_119, %dma_start3A_124] : memref<4x8192x1024xf32, #tpu.memory_space<hbm>> -> memref<1x8x1024xf32, #tpu.memory_space<hbm>>
      %dma_start3A_126 = tpu.memref_squeeze %dma_start3A_125 : memref<1x8x1024xf32, #tpu.memory_space<hbm>> -> memref<8x1024xf32, #tpu.memory_space<hbm>>
      %dma_start3A_127 = arith.constant 0 : i32
      %dma_start3A_128 = tpu.memref_slice %arg3[%dma_start3A_120, %add3A_119, %dma_start3A_127] : memref<4x8192x1024xf32, #tpu.memory_space<hbm>> -> memref<1x8x1024xf32, #tpu.memory_space<hbm>>
      %dma_start3A_129 = tpu.memref_squeeze %dma_start3A_128 : memref<1x8x1024xf32, #tpu.memory_space<hbm>> -> memref<8x1024xf32, #tpu.memory_space<hbm>>
      %dma_start3A_130 = arith.constant 0 : i32
      %dma_start3A_131 = arith.constant 0 : i32
      %dma_start3A_132 = tpu.memref_slice %arg4[%dma_start3A_130, %dma_start3A_131] : memref<64x1024xf32, #tpu.memory_space<vmem>> -> memref<8x1024xf32, #tpu.memory_space<vmem>>
      tpu.enqueue_dma source(%dma_start3A_132 : memref<8x1024xf32, #tpu.memory_space<vmem>>) target(%dma_start3A_129 : memref<8x1024xf32, #tpu.memory_space<hbm>>) target_semaphore(%arg13 : memref<!tpu.dma_semaphore, #tpu.memory_space<semaphore_mem>>)
      %mul3A_133 = arith.constant 8 : i32
      %mul3A_134 = arith.muli %add3A_116, %mul3A_133 : i32
      %add3A_135 = arith.addi %mul3A_2, %mul3A_134 : i32
      %dma_start3A_136 = arith.constant 1 : i32
      %dma_start3A_137 = arith.constant 0 : i32
      %dma_start3A_138 = arith.constant 0 : i32
      %dma_start3A_139 = tpu.memref_slice %arg4[%dma_start3A_137, %dma_start3A_138] : memref<64x1024xf32, #tpu.memory_space<vmem>> -> memref<8x1024xf32, #tpu.memory_space<vmem>>
      %dma_start3A_140 = arith.constant 0 : i32
      %dma_start3A_141 = tpu.memref_slice %arg3[%dma_start3A_136, %add3A_135, %dma_start3A_140] : memref<4x8192x1024xf32, #tpu.memory_space<hbm>> -> memref<1x8x1024xf32, #tpu.memory_space<hbm>>
      %dma_start3A_142 = tpu.memref_squeeze %dma_start3A_141 : memref<1x8x1024xf32, #tpu.memory_space<hbm>> -> memref<8x1024xf32, #tpu.memory_space<hbm>>
      %dma_start3A_143 = arith.constant 0 : i32
      %dma_start3A_144 = tpu.memref_slice %arg3[%dma_start3A_136, %add3A_135, %dma_start3A_143] : memref<4x8192x1024xf32, #tpu.memory_space<hbm>> -> memref<1x8x1024xf32, #tpu.memory_space<hbm>>
      %dma_start3A_145 = tpu.memref_squeeze %dma_start3A_144 : memref<1x8x1024xf32, #tpu.memory_space<hbm>> -> memref<8x1024xf32, #tpu.memory_space<hbm>>
      %dma_start3A_146 = arith.constant 0 : i32
      %dma_start3A_147 = arith.constant 0 : i32
      %dma_start3A_148 = tpu.memref_slice %arg4[%dma_start3A_146, %dma_start3A_147] : memref<64x1024xf32, #tpu.memory_space<vmem>> -> memref<8x1024xf32, #tpu.memory_space<vmem>>
      tpu.enqueue_dma source(%dma_start3A_148 : memref<8x1024xf32, #tpu.memory_space<vmem>>) target(%dma_start3A_145 : memref<8x1024xf32, #tpu.memory_space<hbm>>) target_semaphore(%arg13 : memref<!tpu.dma_semaphore, #tpu.memory_space<semaphore_mem>>)
      %mul3A_149 = arith.constant 8 : i32
      %mul3A_150 = arith.muli %add3A_116, %mul3A_149 : i32
      %add3A_151 = arith.addi %mul3A_2, %mul3A_150 : i32
      %dma_start3A_152 = arith.constant 2 : i32
      %dma_start3A_153 = arith.constant 0 : i32
      %dma_start3A_154 = arith.constant 0 : i32
      %dma_start3A_155 = tpu.memref_slice %arg4[%dma_start3A_153, %dma_start3A_154] : memref<64x1024xf32, #tpu.memory_space<vmem>> -> memref<8x1024xf32, #tpu.memory_space<vmem>>
      %dma_start3A_156 = arith.constant 0 : i32
      %dma_start3A_157 = tpu.memref_slice %arg3[%dma_start3A_152, %add3A_151, %dma_start3A_156] : memref<4x8192x1024xf32, #tpu.memory_space<hbm>> -> memref<1x8x1024xf32, #tpu.memory_space<hbm>>
      %dma_start3A_158 = tpu.memref_squeeze %dma_start3A_157 : memref<1x8x1024xf32, #tpu.memory_space<hbm>> -> memref<8x1024xf32, #tpu.memory_space<hbm>>
      %dma_start3A_159 = arith.constant 0 : i32
      %dma_start3A_160 = tpu.memref_slice %arg3[%dma_start3A_152, %add3A_151, %dma_start3A_159] : memref<4x8192x1024xf32, #tpu.memory_space<hbm>> -> memref<1x8x1024xf32, #tpu.memory_space<hbm>>
      %dma_start3A_161 = tpu.memref_squeeze %dma_start3A_160 : memref<1x8x1024xf32, #tpu.memory_space<hbm>> -> memref<8x1024xf32, #tpu.memory_space<hbm>>
      %dma_start3A_162 = arith.constant 0 : i32
      %dma_start3A_163 = arith.constant 0 : i32
      %dma_start3A_164 = tpu.memref_slice %arg4[%dma_start3A_162, %dma_start3A_163] : memref<64x1024xf32, #tpu.memory_space<vmem>> -> memref<8x1024xf32, #tpu.memory_space<vmem>>
      tpu.enqueue_dma source(%dma_start3A_164 : memref<8x1024xf32, #tpu.memory_space<vmem>>) target(%dma_start3A_161 : memref<8x1024xf32, #tpu.memory_space<hbm>>) target_semaphore(%arg13 : memref<!tpu.dma_semaphore, #tpu.memory_space<semaphore_mem>>)
      %mul3A_165 = arith.constant 8 : i32
      %mul3A_166 = arith.muli %add3A_116, %mul3A_165 : i32
      %add3A_167 = arith.addi %mul3A_2, %mul3A_166 : i32
      %dma_start3A_168 = arith.constant 3 : i32
      %dma_start3A_169 = arith.constant 0 : i32
      %dma_start3A_170 = arith.constant 0 : i32
      %dma_start3A_171 = tpu.memref_slice %arg4[%dma_start3A_169, %dma_start3A_170] : memref<64x1024xf32, #tpu.memory_space<vmem>> -> memref<8x1024xf32, #tpu.memory_space<vmem>>
      %dma_start3A_172 = arith.constant 0 : i32
      %dma_start3A_173 = tpu.memref_slice %arg3[%dma_start3A_168, %add3A_167, %dma_start3A_172] : memref<4x8192x1024xf32, #tpu.memory_space<hbm>> -> memref<1x8x1024xf32, #tpu.memory_space<hbm>>
      %dma_start3A_174 = tpu.memref_squeeze %dma_start3A_173 : memref<1x8x1024xf32, #tpu.memory_space<hbm>> -> memref<8x1024xf32, #tpu.memory_space<hbm>>
      %dma_start3A_175 = arith.constant 0 : i32
      %dma_start3A_176 = tpu.memref_slice %arg3[%dma_start3A_168, %add3A_167, %dma_start3A_175] : memref<4x8192x1024xf32, #tpu.memory_space<hbm>> -> memref<1x8x1024xf32, #tpu.memory_space<hbm>>
      %dma_start3A_177 = tpu.memref_squeeze %dma_start3A_176 : memref<1x8x1024xf32, #tpu.memory_space<hbm>> -> memref<8x1024xf32, #tpu.memory_space<hbm>>
      %dma_start3A_178 = arith.constant 0 : i32
      %dma_start3A_179 = arith.constant 0 : i32
      %dma_start3A_180 = tpu.memref_slice %arg4[%dma_start3A_178, %dma_start3A_179] : memref<64x1024xf32, #tpu.memory_space<vmem>> -> memref<8x1024xf32, #tpu.memory_space<vmem>>
      tpu.enqueue_dma source(%dma_start3A_180 : memref<8x1024xf32, #tpu.memory_space<vmem>>) target(%dma_start3A_177 : memref<8x1024xf32, #tpu.memory_space<hbm>>) target_semaphore(%arg13 : memref<!tpu.dma_semaphore, #tpu.memory_space<semaphore_mem>>)
      %dma_wait3A_181 = arith.constant 8 : i32
      %dma_wait3A_182 = arith.constant 0 : i32
      %dma_wait3A_183 = tpu.memref_slice %arg4[%dma_wait3A_181, %dma_wait3A_182] : memref<64x1024xf32, #tpu.memory_space<vmem>> -> memref<8x1024xf32, #tpu.memory_space<vmem>>
      %dma_wait3A_184 = arith.constant 0 : i32
      %dma_wait3A_185 = tpu.memref_slice %arg2[%mul3A_2, %dma_wait3A_184] : memref<8192x1024xf32, #tpu.memory_space<hbm>> -> memref<8x1024xf32, #tpu.memory_space<hbm>>
      %dma_wait3A_186 = arith.constant 8 : i32
      %dma_wait3A_187 = arith.constant 0 : i32
      %dma_wait3A_188 = tpu.memref_slice %arg4[%dma_wait3A_186, %dma_wait3A_187] : memref<64x1024xf32, #tpu.memory_space<vmem>> -> memref<8x1024xf32, #tpu.memory_space<vmem>>
      %dma_wait3A_189 = arith.constant 0 : i32
      %dma_wait3A_190 = tpu.memref_slice %arg2[%mul3A_2, %dma_wait3A_189] : memref<8192x1024xf32, #tpu.memory_space<hbm>> -> memref<8x1024xf32, #tpu.memory_space<hbm>>
      tpu.wait_dma2 semaphore(%arg6 : memref<!tpu.dma_semaphore, #tpu.memory_space<semaphore_mem>>) src(%dma_wait3A_190 : memref<8x1024xf32, #tpu.memory_space<hbm>>) dst(%dma_wait3A_188 : memref<8x1024xf32, #tpu.memory_space<vmem>>)
      %add3A_191 = arith.constant 1 : i32
      %add3A_192 = arith.addi %mul3A_105, %add3A_191 : i32
      %mul3A_193 = arith.constant 8 : i32
      %mul3A_194 = arith.muli %add3A_192, %mul3A_193 : i32
      %add3A_195 = arith.addi %mul3A_2, %mul3A_194 : i32
      %dma_start3A_196 = arith.constant 0 : i32
      %dma_start3A_197 = arith.constant 8 : i32
      %dma_start3A_198 = arith.constant 0 : i32
      %dma_start3A_199 = tpu.memref_slice %arg4[%dma_start3A_197, %dma_start3A_198] : memref<64x1024xf32, #tpu.memory_space<vmem>> -> memref<8x1024xf32, #tpu.memory_space<vmem>>
      %dma_start3A_200 = arith.constant 0 : i32
      %dma_start3A_201 = tpu.memref_slice %arg3[%dma_start3A_196, %add3A_195, %dma_start3A_200] : memref<4x8192x1024xf32, #tpu.memory_space<hbm>> -> memref<1x8x1024xf32, #tpu.memory_space<hbm>>
      %dma_start3A_202 = tpu.memref_squeeze %dma_start3A_201 : memref<1x8x1024xf32, #tpu.memory_space<hbm>> -> memref<8x1024xf32, #tpu.memory_space<hbm>>
      %dma_start3A_203 = arith.constant 0 : i32
      %dma_start3A_204 = tpu.memref_slice %arg3[%dma_start3A_196, %add3A_195, %dma_start3A_203] : memref<4x8192x1024xf32, #tpu.memory_space<hbm>> -> memref<1x8x1024xf32, #tpu.memory_space<hbm>>
      %dma_start3A_205 = tpu.memref_squeeze %dma_start3A_204 : memref<1x8x1024xf32, #tpu.memory_space<hbm>> -> memref<8x1024xf32, #tpu.memory_space<hbm>>
      %dma_start3A_206 = arith.constant 8 : i32
      %dma_start3A_207 = arith.constant 0 : i32
      %dma_start3A_208 = tpu.memref_slice %arg4[%dma_start3A_206, %dma_start3A_207] : memref<64x1024xf32, #tpu.memory_space<vmem>> -> memref<8x1024xf32, #tpu.memory_space<vmem>>
      tpu.enqueue_dma source(%dma_start3A_208 : memref<8x1024xf32, #tpu.memory_space<vmem>>) target(%dma_start3A_205 : memref<8x1024xf32, #tpu.memory_space<hbm>>) target_semaphore(%arg14 : memref<!tpu.dma_semaphore, #tpu.memory_space<semaphore_mem>>)
      %mul3A_209 = arith.constant 8 : i32
      %mul3A_210 = arith.muli %add3A_192, %mul3A_209 : i32
      %add3A_211 = arith.addi %mul3A_2, %mul3A_210 : i32
      %dma_start3A_212 = arith.constant 1 : i32
      %dma_start3A_213 = arith.constant 8 : i32
      %dma_start3A_214 = arith.constant 0 : i32
      %dma_start3A_215 = tpu.memref_slice %arg4[%dma_start3A_213, %dma_start3A_214] : memref<64x1024xf32, #tpu.memory_space<vmem>> -> memref<8x1024xf32, #tpu.memory_space<vmem>>
      %dma_start3A_216 = arith.constant 0 : i32
      %dma_start3A_217 = tpu.memref_slice %arg3[%dma_start3A_212, %add3A_211, %dma_start3A_216] : memref<4x8192x1024xf32, #tpu.memory_space<hbm>> -> memref<1x8x1024xf32, #tpu.memory_space<hbm>>
      %dma_start3A_218 = tpu.memref_squeeze %dma_start3A_217 : memref<1x8x1024xf32, #tpu.memory_space<hbm>> -> memref<8x1024xf32, #tpu.memory_space<hbm>>
      %dma_start3A_219 = arith.constant 0 : i32
      %dma_start3A_220 = tpu.memref_slice %arg3[%dma_start3A_212, %add3A_211, %dma_start3A_219] : memref<4x8192x1024xf32, #tpu.memory_space<hbm>> -> memref<1x8x1024xf32, #tpu.memory_space<hbm>>
      %dma_start3A_221 = tpu.memref_squeeze %dma_start3A_220 : memref<1x8x1024xf32, #tpu.memory_space<hbm>> -> memref<8x1024xf32, #tpu.memory_space<hbm>>
      %dma_start3A_222 = arith.constant 8 : i32
      %dma_start3A_223 = arith.constant 0 : i32
      %dma_start3A_224 = tpu.memref_slice %arg4[%dma_start3A_222, %dma_start3A_223] : memref<64x1024xf32, #tpu.memory_space<vmem>> -> memref<8x1024xf32, #tpu.memory_space<vmem>>
      tpu.enqueue_dma source(%dma_start3A_224 : memref<8x1024xf32, #tpu.memory_space<vmem>>) target(%dma_start3A_221 : memref<8x1024xf32, #tpu.memory_space<hbm>>) target_semaphore(%arg14 : memref<!tpu.dma_semaphore, #tpu.memory_space<semaphore_mem>>)
      %mul3A_225 = arith.constant 8 : i32
      %mul3A_226 = arith.muli %add3A_192, %mul3A_225 : i32
      %add3A_227 = arith.addi %mul3A_2, %mul3A_226 : i32
      %dma_start3A_228 = arith.constant 2 : i32
      %dma_start3A_229 = arith.constant 8 : i32
      %dma_start3A_230 = arith.constant 0 : i32
      %dma_start3A_231 = tpu.memref_slice %arg4[%dma_start3A_229, %dma_start3A_230] : memref<64x1024xf32, #tpu.memory_space<vmem>> -> memref<8x1024xf32, #tpu.memory_space<vmem>>
      %dma_start3A_232 = arith.constant 0 : i32
      %dma_start3A_233 = tpu.memref_slice %arg3[%dma_start3A_228, %add3A_227, %dma_start3A_232] : memref<4x8192x1024xf32, #tpu.memory_space<hbm>> -> memref<1x8x1024xf32, #tpu.memory_space<hbm>>
      %dma_start3A_234 = tpu.memref_squeeze %dma_start3A_233 : memref<1x8x1024xf32, #tpu.memory_space<hbm>> -> memref<8x1024xf32, #tpu.memory_space<hbm>>
      %dma_start3A_235 = arith.constant 0 : i32
      %dma_start3A_236 = tpu.memref_slice %arg3[%dma_start3A_228, %add3A_227, %dma_start3A_235] : memref<4x8192x1024xf32, #tpu.memory_space<hbm>> -> memref<1x8x1024xf32, #tpu.memory_space<hbm>>
      %dma_start3A_237 = tpu.memref_squeeze %dma_start3A_236 : memref<1x8x1024xf32, #tpu.memory_space<hbm>> -> memref<8x1024xf32, #tpu.memory_space<hbm>>
      %dma_start3A_238 = arith.constant 8 : i32
      %dma_start3A_239 = arith.constant 0 : i32
      %dma_start3A_240 = tpu.memref_slice %arg4[%dma_start3A_238, %dma_start3A_239] : memref<64x1024xf32, #tpu.memory_space<vmem>> -> memref<8x1024xf32, #tpu.memory_space<vmem>>
      tpu.enqueue_dma source(%dma_start3A_240 : memref<8x1024xf32, #tpu.memory_space<vmem>>) target(%dma_start3A_237 : memref<8x1024xf32, #tpu.memory_space<hbm>>) target_semaphore(%arg14 : memref<!tpu.dma_semaphore, #tpu.memory_space<semaphore_mem>>)
      %mul3A_241 = arith.constant 8 : i32
      %mul3A_242 = arith.muli %add3A_192, %mul3A_241 : i32
      %add3A_243 = arith.addi %mul3A_2, %mul3A_242 : i32
      %dma_start3A_244 = arith.constant 3 : i32
      %dma_start3A_245 = arith.constant 8 : i32
      %dma_start3A_246 = arith.constant 0 : i32
      %dma_start3A_247 = tpu.memref_slice %arg4[%dma_start3A_245, %dma_start3A_246] : memref<64x1024xf32, #tpu.memory_space<vmem>> -> memref<8x1024xf32, #tpu.memory_space<vmem>>
      %dma_start3A_248 = arith.constant 0 : i32
      %dma_start3A_249 = tpu.memref_slice %arg3[%dma_start3A_244, %add3A_243, %dma_start3A_248] : memref<4x8192x1024xf32, #tpu.memory_space<hbm>> -> memref<1x8x1024xf32, #tpu.memory_space<hbm>>
      %dma_start3A_250 = tpu.memref_squeeze %dma_start3A_249 : memref<1x8x1024xf32, #tpu.memory_space<hbm>> -> memref<8x1024xf32, #tpu.memory_space<hbm>>
      %dma_start3A_251 = arith.constant 0 : i32
      %dma_start3A_252 = tpu.memref_slice %arg3[%dma_start3A_244, %add3A_243, %dma_start3A_251] : memref<4x8192x1024xf32, #tpu.memory_space<hbm>> -> memref<1x8x1024xf32, #tpu.memory_space<hbm>>
      %dma_start3A_253 = tpu.memref_squeeze %dma_start3A_252 : memref<1x8x1024xf32, #tpu.memory_space<hbm>> -> memref<8x1024xf32, #tpu.memory_space<hbm>>
      %dma_start3A_254 = arith.constant 8 : i32
      %dma_start3A_255 = arith.constant 0 : i32
      %dma_start3A_256 = tpu.memref_slice %arg4[%dma_start3A_254, %dma_start3A_255] : memref<64x1024xf32, #tpu.memory_space<vmem>> -> memref<8x1024xf32, #tpu.memory_space<vmem>>
      tpu.enqueue_dma source(%dma_start3A_256 : memref<8x1024xf32, #tpu.memory_space<vmem>>) target(%dma_start3A_253 : memref<8x1024xf32, #tpu.memory_space<hbm>>) target_semaphore(%arg14 : memref<!tpu.dma_semaphore, #tpu.memory_space<semaphore_mem>>)
      %dma_wait3A_257 = arith.constant 16 : i32
      %dma_wait3A_258 = arith.constant 0 : i32
      %dma_wait3A_259 = tpu.memref_slice %arg4[%dma_wait3A_257, %dma_wait3A_258] : memref<64x1024xf32, #tpu.memory_space<vmem>> -> memref<8x1024xf32, #tpu.memory_space<vmem>>
      %dma_wait3A_260 = arith.constant 0 : i32
      %dma_wait3A_261 = tpu.memref_slice %arg2[%mul3A_2, %dma_wait3A_260] : memref<8192x1024xf32, #tpu.memory_space<hbm>> -> memref<8x1024xf32, #tpu.memory_space<hbm>>
      %dma_wait3A_262 = arith.constant 16 : i32
      %dma_wait3A_263 = arith.constant 0 : i32
      %dma_wait3A_264 = tpu.memref_slice %arg4[%dma_wait3A_262, %dma_wait3A_263] : memref<64x1024xf32, #tpu.memory_space<vmem>> -> memref<8x1024xf32, #tpu.memory_space<vmem>>
      %dma_wait3A_265 = arith.constant 0 : i32
      %dma_wait3A_266 = tpu.memref_slice %arg2[%mul3A_2, %dma_wait3A_265] : memref<8192x1024xf32, #tpu.memory_space<hbm>> -> memref<8x1024xf32, #tpu.memory_space<hbm>>
      tpu.wait_dma2 semaphore(%arg7 : memref<!tpu.dma_semaphore, #tpu.memory_space<semaphore_mem>>) src(%dma_wait3A_266 : memref<8x1024xf32, #tpu.memory_space<hbm>>) dst(%dma_wait3A_264 : memref<8x1024xf32, #tpu.memory_space<vmem>>)
      %add3A_267 = arith.constant 2 : i32
      %add3A_268 = arith.addi %mul3A_105, %add3A_267 : i32
      %mul3A_269 = arith.constant 8 : i32
      %mul3A_270 = arith.muli %add3A_268, %mul3A_269 : i32
      %add3A_271 = arith.addi %mul3A_2, %mul3A_270 : i32
      %dma_start3A_272 = arith.constant 0 : i32
      %dma_start3A_273 = arith.constant 16 : i32
      %dma_start3A_274 = arith.constant 0 : i32
      %dma_start3A_275 = tpu.memref_slice %arg4[%dma_start3A_273, %dma_start3A_274] : memref<64x1024xf32, #tpu.memory_space<vmem>> -> memref<8x1024xf32, #tpu.memory_space<vmem>>
      %dma_start3A_276 = arith.constant 0 : i32
      %dma_start3A_277 = tpu.memref_slice %arg3[%dma_start3A_272, %add3A_271, %dma_start3A_276] : memref<4x8192x1024xf32, #tpu.memory_space<hbm>> -> memref<1x8x1024xf32, #tpu.memory_space<hbm>>
      %dma_start3A_278 = tpu.memref_squeeze %dma_start3A_277 : memref<1x8x1024xf32, #tpu.memory_space<hbm>> -> memref<8x1024xf32, #tpu.memory_space<hbm>>
      %dma_start3A_279 = arith.constant 0 : i32
      %dma_start3A_280 = tpu.memref_slice %arg3[%dma_start3A_272, %add3A_271, %dma_start3A_279] : memref<4x8192x1024xf32, #tpu.memory_space<hbm>> -> memref<1x8x1024xf32, #tpu.memory_space<hbm>>
      %dma_start3A_281 = tpu.memref_squeeze %dma_start3A_280 : memref<1x8x1024xf32, #tpu.memory_space<hbm>> -> memref<8x1024xf32, #tpu.memory_space<hbm>>
      %dma_start3A_282 = arith.constant 16 : i32
      %dma_start3A_283 = arith.constant 0 : i32
      %dma_start3A_284 = tpu.memref_slice %arg4[%dma_start3A_282, %dma_start3A_283] : memref<64x1024xf32, #tpu.memory_space<vmem>> -> memref<8x1024xf32, #tpu.memory_space<vmem>>
      tpu.enqueue_dma source(%dma_start3A_284 : memref<8x1024xf32, #tpu.memory_space<vmem>>) target(%dma_start3A_281 : memref<8x1024xf32, #tpu.memory_space<hbm>>) target_semaphore(%arg15 : memref<!tpu.dma_semaphore, #tpu.memory_space<semaphore_mem>>)
      %mul3A_285 = arith.constant 8 : i32
      %mul3A_286 = arith.muli %add3A_268, %mul3A_285 : i32
      %add3A_287 = arith.addi %mul3A_2, %mul3A_286 : i32
      %dma_start3A_288 = arith.constant 1 : i32
      %dma_start3A_289 = arith.constant 16 : i32
      %dma_start3A_290 = arith.constant 0 : i32
      %dma_start3A_291 = tpu.memref_slice %arg4[%dma_start3A_289, %dma_start3A_290] : memref<64x1024xf32, #tpu.memory_space<vmem>> -> memref<8x1024xf32, #tpu.memory_space<vmem>>
      %dma_start3A_292 = arith.constant 0 : i32
      %dma_start3A_293 = tpu.memref_slice %arg3[%dma_start3A_288, %add3A_287, %dma_start3A_292] : memref<4x8192x1024xf32, #tpu.memory_space<hbm>> -> memref<1x8x1024xf32, #tpu.memory_space<hbm>>
      %dma_start3A_294 = tpu.memref_squeeze %dma_start3A_293 : memref<1x8x1024xf32, #tpu.memory_space<hbm>> -> memref<8x1024xf32, #tpu.memory_space<hbm>>
      %dma_start3A_295 = arith.constant 0 : i32
      %dma_start3A_296 = tpu.memref_slice %arg3[%dma_start3A_288, %add3A_287, %dma_start3A_295] : memref<4x8192x1024xf32, #tpu.memory_space<hbm>> -> memref<1x8x1024xf32, #tpu.memory_space<hbm>>
      %dma_start3A_297 = tpu.memref_squeeze %dma_start3A_296 : memref<1x8x1024xf32, #tpu.memory_space<hbm>> -> memref<8x1024xf32, #tpu.memory_space<hbm>>
      %dma_start3A_298 = arith.constant 16 : i32
      %dma_start3A_299 = arith.constant 0 : i32
      %dma_start3A_300 = tpu.memref_slice %arg4[%dma_start3A_298, %dma_start3A_299] : memref<64x1024xf32, #tpu.memory_space<vmem>> -> memref<8x1024xf32, #tpu.memory_space<vmem>>
      tpu.enqueue_dma source(%dma_start3A_300 : memref<8x1024xf32, #tpu.memory_space<vmem>>) target(%dma_start3A_297 : memref<8x1024xf32, #tpu.memory_space<hbm>>) target_semaphore(%arg15 : memref<!tpu.dma_semaphore, #tpu.memory_space<semaphore_mem>>)
      %mul3A_301 = arith.constant 8 : i32
      %mul3A_302 = arith.muli %add3A_268, %mul3A_301 : i32
      %add3A_303 = arith.addi %mul3A_2, %mul3A_302 : i32
      %dma_start3A_304 = arith.constant 2 : i32
      %dma_start3A_305 = arith.constant 16 : i32
      %dma_start3A_306 = arith.constant 0 : i32
      %dma_start3A_307 = tpu.memref_slice %arg4[%dma_start3A_305, %dma_start3A_306] : memref<64x1024xf32, #tpu.memory_space<vmem>> -> memref<8x1024xf32, #tpu.memory_space<vmem>>
      %dma_start3A_308 = arith.constant 0 : i32
      %dma_start3A_309 = tpu.memref_slice %arg3[%dma_start3A_304, %add3A_303, %dma_start3A_308] : memref<4x8192x1024xf32, #tpu.memory_space<hbm>> -> memref<1x8x1024xf32, #tpu.memory_space<hbm>>
      %dma_start3A_310 = tpu.memref_squeeze %dma_start3A_309 : memref<1x8x1024xf32, #tpu.memory_space<hbm>> -> memref<8x1024xf32, #tpu.memory_space<hbm>>
      %dma_start3A_311 = arith.constant 0 : i32
      %dma_start3A_312 = tpu.memref_slice %arg3[%dma_start3A_304, %add3A_303, %dma_start3A_311] : memref<4x8192x1024xf32, #tpu.memory_space<hbm>> -> memref<1x8x1024xf32, #tpu.memory_space<hbm>>
      %dma_start3A_313 = tpu.memref_squeeze %dma_start3A_312 : memref<1x8x1024xf32, #tpu.memory_space<hbm>> -> memref<8x1024xf32, #tpu.memory_space<hbm>>
      %dma_start3A_314 = arith.constant 16 : i32
      %dma_start3A_315 = arith.constant 0 : i32
      %dma_start3A_316 = tpu.memref_slice %arg4[%dma_start3A_314, %dma_start3A_315] : memref<64x1024xf32, #tpu.memory_space<vmem>> -> memref<8x1024xf32, #tpu.memory_space<vmem>>
      tpu.enqueue_dma source(%dma_start3A_316 : memref<8x1024xf32, #tpu.memory_space<vmem>>) target(%dma_start3A_313 : memref<8x1024xf32, #tpu.memory_space<hbm>>) target_semaphore(%arg15 : memref<!tpu.dma_semaphore, #tpu.memory_space<semaphore_mem>>)
      %mul3A_317 = arith.constant 8 : i32
      %mul3A_318 = arith.muli %add3A_268, %mul3A_317 : i32
      %add3A_319 = arith.addi %mul3A_2, %mul3A_318 : i32
      %dma_start3A_320 = arith.constant 3 : i32
      %dma_start3A_321 = arith.constant 16 : i32
      %dma_start3A_322 = arith.constant 0 : i32
      %dma_start3A_323 = tpu.memref_slice %arg4[%dma_start3A_321, %dma_start3A_322] : memref<64x1024xf32, #tpu.memory_space<vmem>> -> memref<8x1024xf32, #tpu.memory_space<vmem>>
      %dma_start3A_324 = arith.constant 0 : i32
      %dma_start3A_325 = tpu.memref_slice %arg3[%dma_start3A_320, %add3A_319, %dma_start3A_324] : memref<4x8192x1024xf32, #tpu.memory_space<hbm>> -> memref<1x8x1024xf32, #tpu.memory_space<hbm>>
      %dma_start3A_326 = tpu.memref_squeeze %dma_start3A_325 : memref<1x8x1024xf32, #tpu.memory_space<hbm>> -> memref<8x1024xf32, #tpu.memory_space<hbm>>
      %dma_start3A_327 = arith.constant 0 : i32
      %dma_start3A_328 = tpu.memref_slice %arg3[%dma_start3A_320, %add3A_319, %dma_start3A_327] : memref<4x8192x1024xf32, #tpu.memory_space<hbm>> -> memref<1x8x1024xf32, #tpu.memory_space<hbm>>
      %dma_start3A_329 = tpu.memref_squeeze %dma_start3A_328 : memref<1x8x1024xf32, #tpu.memory_space<hbm>> -> memref<8x1024xf32, #tpu.memory_space<hbm>>
      %dma_start3A_330 = arith.constant 16 : i32
      %dma_start3A_331 = arith.constant 0 : i32
      %dma_start3A_332 = tpu.memref_slice %arg4[%dma_start3A_330, %dma_start3A_331] : memref<64x1024xf32, #tpu.memory_space<vmem>> -> memref<8x1024xf32, #tpu.memory_space<vmem>>
      tpu.enqueue_dma source(%dma_start3A_332 : memref<8x1024xf32, #tpu.memory_space<vmem>>) target(%dma_start3A_329 : memref<8x1024xf32, #tpu.memory_space<hbm>>) target_semaphore(%arg15 : memref<!tpu.dma_semaphore, #tpu.memory_space<semaphore_mem>>)
      %dma_wait3A_333 = arith.constant 24 : i32
      %dma_wait3A_334 = arith.constant 0 : i32
      %dma_wait3A_335 = tpu.memref_slice %arg4[%dma_wait3A_333, %dma_wait3A_334] : memref<64x1024xf32, #tpu.memory_space<vmem>> -> memref<8x1024xf32, #tpu.memory_space<vmem>>
      %dma_wait3A_336 = arith.constant 0 : i32
      %dma_wait3A_337 = tpu.memref_slice %arg2[%mul3A_2, %dma_wait3A_336] : memref<8192x1024xf32, #tpu.memory_space<hbm>> -> memref<8x1024xf32, #tpu.memory_space<hbm>>
      %dma_wait3A_338 = arith.constant 24 : i32
      %dma_wait3A_339 = arith.constant 0 : i32
      %dma_wait3A_340 = tpu.memref_slice %arg4[%dma_wait3A_338, %dma_wait3A_339] : memref<64x1024xf32, #tpu.memory_space<vmem>> -> memref<8x1024xf32, #tpu.memory_space<vmem>>
      %dma_wait3A_341 = arith.constant 0 : i32
      %dma_wait3A_342 = tpu.memref_slice %arg2[%mul3A_2, %dma_wait3A_341] : memref<8192x1024xf32, #tpu.memory_space<hbm>> -> memref<8x1024xf32, #tpu.memory_space<hbm>>
      tpu.wait_dma2 semaphore(%arg8 : memref<!tpu.dma_semaphore, #tpu.memory_space<semaphore_mem>>) src(%dma_wait3A_342 : memref<8x1024xf32, #tpu.memory_space<hbm>>) dst(%dma_wait3A_340 : memref<8x1024xf32, #tpu.memory_space<vmem>>)
      %add3A_343 = arith.constant 3 : i32
      %add3A_344 = arith.addi %mul3A_105, %add3A_343 : i32
      %mul3A_345 = arith.constant 8 : i32
      %mul3A_346 = arith.muli %add3A_344, %mul3A_345 : i32
      %add3A_347 = arith.addi %mul3A_2, %mul3A_346 : i32
      %dma_start3A_348 = arith.constant 0 : i32
      %dma_start3A_349 = arith.constant 24 : i32
      %dma_start3A_350 = arith.constant 0 : i32
      %dma_start3A_351 = tpu.memref_slice %arg4[%dma_start3A_349, %dma_start3A_350] : memref<64x1024xf32, #tpu.memory_space<vmem>> -> memref<8x1024xf32, #tpu.memory_space<vmem>>
      %dma_start3A_352 = arith.constant 0 : i32
      %dma_start3A_353 = tpu.memref_slice %arg3[%dma_start3A_348, %add3A_347, %dma_start3A_352] : memref<4x8192x1024xf32, #tpu.memory_space<hbm>> -> memref<1x8x1024xf32, #tpu.memory_space<hbm>>
      %dma_start3A_354 = tpu.memref_squeeze %dma_start3A_353 : memref<1x8x1024xf32, #tpu.memory_space<hbm>> -> memref<8x1024xf32, #tpu.memory_space<hbm>>
      %dma_start3A_355 = arith.constant 0 : i32
      %dma_start3A_356 = tpu.memref_slice %arg3[%dma_start3A_348, %add3A_347, %dma_start3A_355] : memref<4x8192x1024xf32, #tpu.memory_space<hbm>> -> memref<1x8x1024xf32, #tpu.memory_space<hbm>>
      %dma_start3A_357 = tpu.memref_squeeze %dma_start3A_356 : memref<1x8x1024xf32, #tpu.memory_space<hbm>> -> memref<8x1024xf32, #tpu.memory_space<hbm>>
      %dma_start3A_358 = arith.constant 24 : i32
      %dma_start3A_359 = arith.constant 0 : i32
      %dma_start3A_360 = tpu.memref_slice %arg4[%dma_start3A_358, %dma_start3A_359] : memref<64x1024xf32, #tpu.memory_space<vmem>> -> memref<8x1024xf32, #tpu.memory_space<vmem>>
      tpu.enqueue_dma source(%dma_start3A_360 : memref<8x1024xf32, #tpu.memory_space<vmem>>) target(%dma_start3A_357 : memref<8x1024xf32, #tpu.memory_space<hbm>>) target_semaphore(%arg16 : memref<!tpu.dma_semaphore, #tpu.memory_space<semaphore_mem>>)
      %mul3A_361 = arith.constant 8 : i32
      %mul3A_362 = arith.muli %add3A_344, %mul3A_361 : i32
      %add3A_363 = arith.addi %mul3A_2, %mul3A_362 : i32
      %dma_start3A_364 = arith.constant 1 : i32
      %dma_start3A_365 = arith.constant 24 : i32
      %dma_start3A_366 = arith.constant 0 : i32
      %dma_start3A_367 = tpu.memref_slice %arg4[%dma_start3A_365, %dma_start3A_366] : memref<64x1024xf32, #tpu.memory_space<vmem>> -> memref<8x1024xf32, #tpu.memory_space<vmem>>
      %dma_start3A_368 = arith.constant 0 : i32
      %dma_start3A_369 = tpu.memref_slice %arg3[%dma_start3A_364, %add3A_363, %dma_start3A_368] : memref<4x8192x1024xf32, #tpu.memory_space<hbm>> -> memref<1x8x1024xf32, #tpu.memory_space<hbm>>
      %dma_start3A_370 = tpu.memref_squeeze %dma_start3A_369 : memref<1x8x1024xf32, #tpu.memory_space<hbm>> -> memref<8x1024xf32, #tpu.memory_space<hbm>>
      %dma_start3A_371 = arith.constant 0 : i32
      %dma_start3A_372 = tpu.memref_slice %arg3[%dma_start3A_364, %add3A_363, %dma_start3A_371] : memref<4x8192x1024xf32, #tpu.memory_space<hbm>> -> memref<1x8x1024xf32, #tpu.memory_space<hbm>>
      %dma_start3A_373 = tpu.memref_squeeze %dma_start3A_372 : memref<1x8x1024xf32, #tpu.memory_space<hbm>> -> memref<8x1024xf32, #tpu.memory_space<hbm>>
      %dma_start3A_374 = arith.constant 24 : i32
      %dma_start3A_375 = arith.constant 0 : i32
      %dma_start3A_376 = tpu.memref_slice %arg4[%dma_start3A_374, %dma_start3A_375] : memref<64x1024xf32, #tpu.memory_space<vmem>> -> memref<8x1024xf32, #tpu.memory_space<vmem>>
      tpu.enqueue_dma source(%dma_start3A_376 : memref<8x1024xf32, #tpu.memory_space<vmem>>) target(%dma_start3A_373 : memref<8x1024xf32, #tpu.memory_space<hbm>>) target_semaphore(%arg16 : memref<!tpu.dma_semaphore, #tpu.memory_space<semaphore_mem>>)
      %mul3A_377 = arith.constant 8 : i32
      %mul3A_378 = arith.muli %add3A_344, %mul3A_377 : i32
      %add3A_379 = arith.addi %mul3A_2, %mul3A_378 : i32
      %dma_start3A_380 = arith.constant 2 : i32
      %dma_start3A_381 = arith.constant 24 : i32
      %dma_start3A_382 = arith.constant 0 : i32
      %dma_start3A_383 = tpu.memref_slice %arg4[%dma_start3A_381, %dma_start3A_382] : memref<64x1024xf32, #tpu.memory_space<vmem>> -> memref<8x1024xf32, #tpu.memory_space<vmem>>
      %dma_start3A_384 = arith.constant 0 : i32
      %dma_start3A_385 = tpu.memref_slice %arg3[%dma_start3A_380, %add3A_379, %dma_start3A_384] : memref<4x8192x1024xf32, #tpu.memory_space<hbm>> -> memref<1x8x1024xf32, #tpu.memory_space<hbm>>
      %dma_start3A_386 = tpu.memref_squeeze %dma_start3A_385 : memref<1x8x1024xf32, #tpu.memory_space<hbm>> -> memref<8x1024xf32, #tpu.memory_space<hbm>>
      %dma_start3A_387 = arith.constant 0 : i32
      %dma_start3A_388 = tpu.memref_slice %arg3[%dma_start3A_380, %add3A_379, %dma_start3A_387] : memref<4x8192x1024xf32, #tpu.memory_space<hbm>> -> memref<1x8x1024xf32, #tpu.memory_space<hbm>>
      %dma_start3A_389 = tpu.memref_squeeze %dma_start3A_388 : memref<1x8x1024xf32, #tpu.memory_space<hbm>> -> memref<8x1024xf32, #tpu.memory_space<hbm>>
      %dma_start3A_390 = arith.constant 24 : i32
      %dma_start3A_391 = arith.constant 0 : i32
      %dma_start3A_392 = tpu.memref_slice %arg4[%dma_start3A_390, %dma_start3A_391] : memref<64x1024xf32, #tpu.memory_space<vmem>> -> memref<8x1024xf32, #tpu.memory_space<vmem>>
      tpu.enqueue_dma source(%dma_start3A_392 : memref<8x1024xf32, #tpu.memory_space<vmem>>) target(%dma_start3A_389 : memref<8x1024xf32, #tpu.memory_space<hbm>>) target_semaphore(%arg16 : memref<!tpu.dma_semaphore, #tpu.memory_space<semaphore_mem>>)
      %mul3A_393 = arith.constant 8 : i32
      %mul3A_394 = arith.muli %add3A_344, %mul3A_393 : i32
      %add3A_395 = arith.addi %mul3A_2, %mul3A_394 : i32
      %dma_start3A_396 = arith.constant 3 : i32
      %dma_start3A_397 = arith.constant 24 : i32
      %dma_start3A_398 = arith.constant 0 : i32
      %dma_start3A_399 = tpu.memref_slice %arg4[%dma_start3A_397, %dma_start3A_398] : memref<64x1024xf32, #tpu.memory_space<vmem>> -> memref<8x1024xf32, #tpu.memory_space<vmem>>
      %dma_start3A_400 = arith.constant 0 : i32
      %dma_start3A_401 = tpu.memref_slice %arg3[%dma_start3A_396, %add3A_395, %dma_start3A_400] : memref<4x8192x1024xf32, #tpu.memory_space<hbm>> -> memref<1x8x1024xf32, #tpu.memory_space<hbm>>
      %dma_start3A_402 = tpu.memref_squeeze %dma_start3A_401 : memref<1x8x1024xf32, #tpu.memory_space<hbm>> -> memref<8x1024xf32, #tpu.memory_space<hbm>>
      %dma_start3A_403 = arith.constant 0 : i32
      %dma_start3A_404 = tpu.memref_slice %arg3[%dma_start3A_396, %add3A_395, %dma_start3A_403] : memref<4x8192x1024xf32, #tpu.memory_space<hbm>> -> memref<1x8x1024xf32, #tpu.memory_space<hbm>>
      %dma_start3A_405 = tpu.memref_squeeze %dma_start3A_404 : memref<1x8x1024xf32, #tpu.memory_space<hbm>> -> memref<8x1024xf32, #tpu.memory_space<hbm>>
      %dma_start3A_406 = arith.constant 24 : i32
      %dma_start3A_407 = arith.constant 0 : i32
      %dma_start3A_408 = tpu.memref_slice %arg4[%dma_start3A_406, %dma_start3A_407] : memref<64x1024xf32, #tpu.memory_space<vmem>> -> memref<8x1024xf32, #tpu.memory_space<vmem>>
      tpu.enqueue_dma source(%dma_start3A_408 : memref<8x1024xf32, #tpu.memory_space<vmem>>) target(%dma_start3A_405 : memref<8x1024xf32, #tpu.memory_space<hbm>>) target_semaphore(%arg16 : memref<!tpu.dma_semaphore, #tpu.memory_space<semaphore_mem>>)
      %dma_wait3A_409 = arith.constant 32 : i32
      %dma_wait3A_410 = arith.constant 0 : i32
      %dma_wait3A_411 = tpu.memref_slice %arg4[%dma_wait3A_409, %dma_wait3A_410] : memref<64x1024xf32, #tpu.memory_space<vmem>> -> memref<8x1024xf32, #tpu.memory_space<vmem>>
      %dma_wait3A_412 = arith.constant 0 : i32
      %dma_wait3A_413 = tpu.memref_slice %arg2[%mul3A_2, %dma_wait3A_412] : memref<8192x1024xf32, #tpu.memory_space<hbm>> -> memref<8x1024xf32, #tpu.memory_space<hbm>>
      %dma_wait3A_414 = arith.constant 32 : i32
      %dma_wait3A_415 = arith.constant 0 : i32
      %dma_wait3A_416 = tpu.memref_slice %arg4[%dma_wait3A_414, %dma_wait3A_415] : memref<64x1024xf32, #tpu.memory_space<vmem>> -> memref<8x1024xf32, #tpu.memory_space<vmem>>
      %dma_wait3A_417 = arith.constant 0 : i32
      %dma_wait3A_418 = tpu.memref_slice %arg2[%mul3A_2, %dma_wait3A_417] : memref<8192x1024xf32, #tpu.memory_space<hbm>> -> memref<8x1024xf32, #tpu.memory_space<hbm>>
      tpu.wait_dma2 semaphore(%arg9 : memref<!tpu.dma_semaphore, #tpu.memory_space<semaphore_mem>>) src(%dma_wait3A_418 : memref<8x1024xf32, #tpu.memory_space<hbm>>) dst(%dma_wait3A_416 : memref<8x1024xf32, #tpu.memory_space<vmem>>)
      %add3A_419 = arith.constant 4 : i32
      %add3A_420 = arith.addi %mul3A_105, %add3A_419 : i32
      %mul3A_421 = arith.constant 8 : i32
      %mul3A_422 = arith.muli %add3A_420, %mul3A_421 : i32
      %add3A_423 = arith.addi %mul3A_2, %mul3A_422 : i32
      %dma_start3A_424 = arith.constant 0 : i32
      %dma_start3A_425 = arith.constant 32 : i32
      %dma_start3A_426 = arith.constant 0 : i32
      %dma_start3A_427 = tpu.memref_slice %arg4[%dma_start3A_425, %dma_start3A_426] : memref<64x1024xf32, #tpu.memory_space<vmem>> -> memref<8x1024xf32, #tpu.memory_space<vmem>>
      %dma_start3A_428 = arith.constant 0 : i32
      %dma_start3A_429 = tpu.memref_slice %arg3[%dma_start3A_424, %add3A_423, %dma_start3A_428] : memref<4x8192x1024xf32, #tpu.memory_space<hbm>> -> memref<1x8x1024xf32, #tpu.memory_space<hbm>>
      %dma_start3A_430 = tpu.memref_squeeze %dma_start3A_429 : memref<1x8x1024xf32, #tpu.memory_space<hbm>> -> memref<8x1024xf32, #tpu.memory_space<hbm>>
      %dma_start3A_431 = arith.constant 0 : i32
      %dma_start3A_432 = tpu.memref_slice %arg3[%dma_start3A_424, %add3A_423, %dma_start3A_431] : memref<4x8192x1024xf32, #tpu.memory_space<hbm>> -> memref<1x8x1024xf32, #tpu.memory_space<hbm>>
      %dma_start3A_433 = tpu.memref_squeeze %dma_start3A_432 : memref<1x8x1024xf32, #tpu.memory_space<hbm>> -> memref<8x1024xf32, #tpu.memory_space<hbm>>
      %dma_start3A_434 = arith.constant 32 : i32
      %dma_start3A_435 = arith.constant 0 : i32
      %dma_start3A_436 = tpu.memref_slice %arg4[%dma_start3A_434, %dma_start3A_435] : memref<64x1024xf32, #tpu.memory_space<vmem>> -> memref<8x1024xf32, #tpu.memory_space<vmem>>
      tpu.enqueue_dma source(%dma_start3A_436 : memref<8x1024xf32, #tpu.memory_space<vmem>>) target(%dma_start3A_433 : memref<8x1024xf32, #tpu.memory_space<hbm>>) target_semaphore(%arg17 : memref<!tpu.dma_semaphore, #tpu.memory_space<semaphore_mem>>)
      %mul3A_437 = arith.constant 8 : i32
      %mul3A_438 = arith.muli %add3A_420, %mul3A_437 : i32
      %add3A_439 = arith.addi %mul3A_2, %mul3A_438 : i32
      %dma_start3A_440 = arith.constant 1 : i32
      %dma_start3A_441 = arith.constant 32 : i32
      %dma_start3A_442 = arith.constant 0 : i32
      %dma_start3A_443 = tpu.memref_slice %arg4[%dma_start3A_441, %dma_start3A_442] : memref<64x1024xf32, #tpu.memory_space<vmem>> -> memref<8x1024xf32, #tpu.memory_space<vmem>>
      %dma_start3A_444 = arith.constant 0 : i32
      %dma_start3A_445 = tpu.memref_slice %arg3[%dma_start3A_440, %add3A_439, %dma_start3A_444] : memref<4x8192x1024xf32, #tpu.memory_space<hbm>> -> memref<1x8x1024xf32, #tpu.memory_space<hbm>>
      %dma_start3A_446 = tpu.memref_squeeze %dma_start3A_445 : memref<1x8x1024xf32, #tpu.memory_space<hbm>> -> memref<8x1024xf32, #tpu.memory_space<hbm>>
      %dma_start3A_447 = arith.constant 0 : i32
      %dma_start3A_448 = tpu.memref_slice %arg3[%dma_start3A_440, %add3A_439, %dma_start3A_447] : memref<4x8192x1024xf32, #tpu.memory_space<hbm>> -> memref<1x8x1024xf32, #tpu.memory_space<hbm>>
      %dma_start3A_449 = tpu.memref_squeeze %dma_start3A_448 : memref<1x8x1024xf32, #tpu.memory_space<hbm>> -> memref<8x1024xf32, #tpu.memory_space<hbm>>
      %dma_start3A_450 = arith.constant 32 : i32
      %dma_start3A_451 = arith.constant 0 : i32
      %dma_start3A_452 = tpu.memref_slice %arg4[%dma_start3A_450, %dma_start3A_451] : memref<64x1024xf32, #tpu.memory_space<vmem>> -> memref<8x1024xf32, #tpu.memory_space<vmem>>
      tpu.enqueue_dma source(%dma_start3A_452 : memref<8x1024xf32, #tpu.memory_space<vmem>>) target(%dma_start3A_449 : memref<8x1024xf32, #tpu.memory_space<hbm>>) target_semaphore(%arg17 : memref<!tpu.dma_semaphore, #tpu.memory_space<semaphore_mem>>)
      %mul3A_453 = arith.constant 8 : i32
      %mul3A_454 = arith.muli %add3A_420, %mul3A_453 : i32
      %add3A_455 = arith.addi %mul3A_2, %mul3A_454 : i32
      %dma_start3A_456 = arith.constant 2 : i32
      %dma_start3A_457 = arith.constant 32 : i32
      %dma_start3A_458 = arith.constant 0 : i32
      %dma_start3A_459 = tpu.memref_slice %arg4[%dma_start3A_457, %dma_start3A_458] : memref<64x1024xf32, #tpu.memory_space<vmem>> -> memref<8x1024xf32, #tpu.memory_space<vmem>>
      %dma_start3A_460 = arith.constant 0 : i32
      %dma_start3A_461 = tpu.memref_slice %arg3[%dma_start3A_456, %add3A_455, %dma_start3A_460] : memref<4x8192x1024xf32, #tpu.memory_space<hbm>> -> memref<1x8x1024xf32, #tpu.memory_space<hbm>>
      %dma_start3A_462 = tpu.memref_squeeze %dma_start3A_461 : memref<1x8x1024xf32, #tpu.memory_space<hbm>> -> memref<8x1024xf32, #tpu.memory_space<hbm>>
      %dma_start3A_463 = arith.constant 0 : i32
      %dma_start3A_464 = tpu.memref_slice %arg3[%dma_start3A_456, %add3A_455, %dma_start3A_463] : memref<4x8192x1024xf32, #tpu.memory_space<hbm>> -> memref<1x8x1024xf32, #tpu.memory_space<hbm>>
      %dma_start3A_465 = tpu.memref_squeeze %dma_start3A_464 : memref<1x8x1024xf32, #tpu.memory_space<hbm>> -> memref<8x1024xf32, #tpu.memory_space<hbm>>
      %dma_start3A_466 = arith.constant 32 : i32
      %dma_start3A_467 = arith.constant 0 : i32
      %dma_start3A_468 = tpu.memref_slice %arg4[%dma_start3A_466, %dma_start3A_467] : memref<64x1024xf32, #tpu.memory_space<vmem>> -> memref<8x1024xf32, #tpu.memory_space<vmem>>
      tpu.enqueue_dma source(%dma_start3A_468 : memref<8x1024xf32, #tpu.memory_space<vmem>>) target(%dma_start3A_465 : memref<8x1024xf32, #tpu.memory_space<hbm>>) target_semaphore(%arg17 : memref<!tpu.dma_semaphore, #tpu.memory_space<semaphore_mem>>)
      %mul3A_469 = arith.constant 8 : i32
      %mul3A_470 = arith.muli %add3A_420, %mul3A_469 : i32
      %add3A_471 = arith.addi %mul3A_2, %mul3A_470 : i32
      %dma_start3A_472 = arith.constant 3 : i32
      %dma_start3A_473 = arith.constant 32 : i32
      %dma_start3A_474 = arith.constant 0 : i32
      %dma_start3A_475 = tpu.memref_slice %arg4[%dma_start3A_473, %dma_start3A_474] : memref<64x1024xf32, #tpu.memory_space<vmem>> -> memref<8x1024xf32, #tpu.memory_space<vmem>>
      %dma_start3A_476 = arith.constant 0 : i32
      %dma_start3A_477 = tpu.memref_slice %arg3[%dma_start3A_472, %add3A_471, %dma_start3A_476] : memref<4x8192x1024xf32, #tpu.memory_space<hbm>> -> memref<1x8x1024xf32, #tpu.memory_space<hbm>>
      %dma_start3A_478 = tpu.memref_squeeze %dma_start3A_477 : memref<1x8x1024xf32, #tpu.memory_space<hbm>> -> memref<8x1024xf32, #tpu.memory_space<hbm>>
      %dma_start3A_479 = arith.constant 0 : i32
      %dma_start3A_480 = tpu.memref_slice %arg3[%dma_start3A_472, %add3A_471, %dma_start3A_479] : memref<4x8192x1024xf32, #tpu.memory_space<hbm>> -> memref<1x8x1024xf32, #tpu.memory_space<hbm>>
      %dma_start3A_481 = tpu.memref_squeeze %dma_start3A_480 : memref<1x8x1024xf32, #tpu.memory_space<hbm>> -> memref<8x1024xf32, #tpu.memory_space<hbm>>
      %dma_start3A_482 = arith.constant 32 : i32
      %dma_start3A_483 = arith.constant 0 : i32
      %dma_start3A_484 = tpu.memref_slice %arg4[%dma_start3A_482, %dma_start3A_483] : memref<64x1024xf32, #tpu.memory_space<vmem>> -> memref<8x1024xf32, #tpu.memory_space<vmem>>
      tpu.enqueue_dma source(%dma_start3A_484 : memref<8x1024xf32, #tpu.memory_space<vmem>>) target(%dma_start3A_481 : memref<8x1024xf32, #tpu.memory_space<hbm>>) target_semaphore(%arg17 : memref<!tpu.dma_semaphore, #tpu.memory_space<semaphore_mem>>)
      %dma_wait3A_485 = arith.constant 40 : i32
      %dma_wait3A_486 = arith.constant 0 : i32
      %dma_wait3A_487 = tpu.memref_slice %arg4[%dma_wait3A_485, %dma_wait3A_486] : memref<64x1024xf32, #tpu.memory_space<vmem>> -> memref<8x1024xf32, #tpu.memory_space<vmem>>
      %dma_wait3A_488 = arith.constant 0 : i32
      %dma_wait3A_489 = tpu.memref_slice %arg2[%mul3A_2, %dma_wait3A_488] : memref<8192x1024xf32, #tpu.memory_space<hbm>> -> memref<8x1024xf32, #tpu.memory_space<hbm>>
      %dma_wait3A_490 = arith.constant 40 : i32
      %dma_wait3A_491 = arith.constant 0 : i32
      %dma_wait3A_492 = tpu.memref_slice %arg4[%dma_wait3A_490, %dma_wait3A_491] : memref<64x1024xf32, #tpu.memory_space<vmem>> -> memref<8x1024xf32, #tpu.memory_space<vmem>>
      %dma_wait3A_493 = arith.constant 0 : i32
      %dma_wait3A_494 = tpu.memref_slice %arg2[%mul3A_2, %dma_wait3A_493] : memref<8192x1024xf32, #tpu.memory_space<hbm>> -> memref<8x1024xf32, #tpu.memory_space<hbm>>
      tpu.wait_dma2 semaphore(%arg10 : memref<!tpu.dma_semaphore, #tpu.memory_space<semaphore_mem>>) src(%dma_wait3A_494 : memref<8x1024xf32, #tpu.memory_space<hbm>>) dst(%dma_wait3A_492 : memref<8x1024xf32, #tpu.memory_space<vmem>>)
      %add3A_495 = arith.constant 5 : i32
      %add3A_496 = arith.addi %mul3A_105, %add3A_495 : i32
      %mul3A_497 = arith.constant 8 : i32
      %mul3A_498 = arith.muli %add3A_496, %mul3A_497 : i32
      %add3A_499 = arith.addi %mul3A_2, %mul3A_498 : i32
      %dma_start3A_500 = arith.constant 0 : i32
      %dma_start3A_501 = arith.constant 40 : i32
      %dma_start3A_502 = arith.constant 0 : i32
      %dma_start3A_503 = tpu.memref_slice %arg4[%dma_start3A_501, %dma_start3A_502] : memref<64x1024xf32, #tpu.memory_space<vmem>> -> memref<8x1024xf32, #tpu.memory_space<vmem>>
      %dma_start3A_504 = arith.constant 0 : i32
      %dma_start3A_505 = tpu.memref_slice %arg3[%dma_start3A_500, %add3A_499, %dma_start3A_504] : memref<4x8192x1024xf32, #tpu.memory_space<hbm>> -> memref<1x8x1024xf32, #tpu.memory_space<hbm>>
      %dma_start3A_506 = tpu.memref_squeeze %dma_start3A_505 : memref<1x8x1024xf32, #tpu.memory_space<hbm>> -> memref<8x1024xf32, #tpu.memory_space<hbm>>
      %dma_start3A_507 = arith.constant 0 : i32
      %dma_start3A_508 = tpu.memref_slice %arg3[%dma_start3A_500, %add3A_499, %dma_start3A_507] : memref<4x8192x1024xf32, #tpu.memory_space<hbm>> -> memref<1x8x1024xf32, #tpu.memory_space<hbm>>
      %dma_start3A_509 = tpu.memref_squeeze %dma_start3A_508 : memref<1x8x1024xf32, #tpu.memory_space<hbm>> -> memref<8x1024xf32, #tpu.memory_space<hbm>>
      %dma_start3A_510 = arith.constant 40 : i32
      %dma_start3A_511 = arith.constant 0 : i32
      %dma_start3A_512 = tpu.memref_slice %arg4[%dma_start3A_510, %dma_start3A_511] : memref<64x1024xf32, #tpu.memory_space<vmem>> -> memref<8x1024xf32, #tpu.memory_space<vmem>>
      tpu.enqueue_dma source(%dma_start3A_512 : memref<8x1024xf32, #tpu.memory_space<vmem>>) target(%dma_start3A_509 : memref<8x1024xf32, #tpu.memory_space<hbm>>) target_semaphore(%arg18 : memref<!tpu.dma_semaphore, #tpu.memory_space<semaphore_mem>>)
      %mul3A_513 = arith.constant 8 : i32
      %mul3A_514 = arith.muli %add3A_496, %mul3A_513 : i32
      %add3A_515 = arith.addi %mul3A_2, %mul3A_514 : i32
      %dma_start3A_516 = arith.constant 1 : i32
      %dma_start3A_517 = arith.constant 40 : i32
      %dma_start3A_518 = arith.constant 0 : i32
      %dma_start3A_519 = tpu.memref_slice %arg4[%dma_start3A_517, %dma_start3A_518] : memref<64x1024xf32, #tpu.memory_space<vmem>> -> memref<8x1024xf32, #tpu.memory_space<vmem>>
      %dma_start3A_520 = arith.constant 0 : i32
      %dma_start3A_521 = tpu.memref_slice %arg3[%dma_start3A_516, %add3A_515, %dma_start3A_520] : memref<4x8192x1024xf32, #tpu.memory_space<hbm>> -> memref<1x8x1024xf32, #tpu.memory_space<hbm>>
      %dma_start3A_522 = tpu.memref_squeeze %dma_start3A_521 : memref<1x8x1024xf32, #tpu.memory_space<hbm>> -> memref<8x1024xf32, #tpu.memory_space<hbm>>
      %dma_start3A_523 = arith.constant 0 : i32
      %dma_start3A_524 = tpu.memref_slice %arg3[%dma_start3A_516, %add3A_515, %dma_start3A_523] : memref<4x8192x1024xf32, #tpu.memory_space<hbm>> -> memref<1x8x1024xf32, #tpu.memory_space<hbm>>
      %dma_start3A_525 = tpu.memref_squeeze %dma_start3A_524 : memref<1x8x1024xf32, #tpu.memory_space<hbm>> -> memref<8x1024xf32, #tpu.memory_space<hbm>>
      %dma_start3A_526 = arith.constant 40 : i32
      %dma_start3A_527 = arith.constant 0 : i32
      %dma_start3A_528 = tpu.memref_slice %arg4[%dma_start3A_526, %dma_start3A_527] : memref<64x1024xf32, #tpu.memory_space<vmem>> -> memref<8x1024xf32, #tpu.memory_space<vmem>>
      tpu.enqueue_dma source(%dma_start3A_528 : memref<8x1024xf32, #tpu.memory_space<vmem>>) target(%dma_start3A_525 : memref<8x1024xf32, #tpu.memory_space<hbm>>) target_semaphore(%arg18 : memref<!tpu.dma_semaphore, #tpu.memory_space<semaphore_mem>>)
      %mul3A_529 = arith.constant 8 : i32
      %mul3A_530 = arith.muli %add3A_496, %mul3A_529 : i32
      %add3A_531 = arith.addi %mul3A_2, %mul3A_530 : i32
      %dma_start3A_532 = arith.constant 2 : i32
      %dma_start3A_533 = arith.constant 40 : i32
      %dma_start3A_534 = arith.constant 0 : i32
      %dma_start3A_535 = tpu.memref_slice %arg4[%dma_start3A_533, %dma_start3A_534] : memref<64x1024xf32, #tpu.memory_space<vmem>> -> memref<8x1024xf32, #tpu.memory_space<vmem>>
      %dma_start3A_536 = arith.constant 0 : i32
      %dma_start3A_537 = tpu.memref_slice %arg3[%dma_start3A_532, %add3A_531, %dma_start3A_536] : memref<4x8192x1024xf32, #tpu.memory_space<hbm>> -> memref<1x8x1024xf32, #tpu.memory_space<hbm>>
      %dma_start3A_538 = tpu.memref_squeeze %dma_start3A_537 : memref<1x8x1024xf32, #tpu.memory_space<hbm>> -> memref<8x1024xf32, #tpu.memory_space<hbm>>
      %dma_start3A_539 = arith.constant 0 : i32
      %dma_start3A_540 = tpu.memref_slice %arg3[%dma_start3A_532, %add3A_531, %dma_start3A_539] : memref<4x8192x1024xf32, #tpu.memory_space<hbm>> -> memref<1x8x1024xf32, #tpu.memory_space<hbm>>
      %dma_start3A_541 = tpu.memref_squeeze %dma_start3A_540 : memref<1x8x1024xf32, #tpu.memory_space<hbm>> -> memref<8x1024xf32, #tpu.memory_space<hbm>>
      %dma_start3A_542 = arith.constant 40 : i32
      %dma_start3A_543 = arith.constant 0 : i32
      %dma_start3A_544 = tpu.memref_slice %arg4[%dma_start3A_542, %dma_start3A_543] : memref<64x1024xf32, #tpu.memory_space<vmem>> -> memref<8x1024xf32, #tpu.memory_space<vmem>>
      tpu.enqueue_dma source(%dma_start3A_544 : memref<8x1024xf32, #tpu.memory_space<vmem>>) target(%dma_start3A_541 : memref<8x1024xf32, #tpu.memory_space<hbm>>) target_semaphore(%arg18 : memref<!tpu.dma_semaphore, #tpu.memory_space<semaphore_mem>>)
      %mul3A_545 = arith.constant 8 : i32
      %mul3A_546 = arith.muli %add3A_496, %mul3A_545 : i32
      %add3A_547 = arith.addi %mul3A_2, %mul3A_546 : i32
      %dma_start3A_548 = arith.constant 3 : i32
      %dma_start3A_549 = arith.constant 40 : i32
      %dma_start3A_550 = arith.constant 0 : i32
      %dma_start3A_551 = tpu.memref_slice %arg4[%dma_start3A_549, %dma_start3A_550] : memref<64x1024xf32, #tpu.memory_space<vmem>> -> memref<8x1024xf32, #tpu.memory_space<vmem>>
      %dma_start3A_552 = arith.constant 0 : i32
      %dma_start3A_553 = tpu.memref_slice %arg3[%dma_start3A_548, %add3A_547, %dma_start3A_552] : memref<4x8192x1024xf32, #tpu.memory_space<hbm>> -> memref<1x8x1024xf32, #tpu.memory_space<hbm>>
      %dma_start3A_554 = tpu.memref_squeeze %dma_start3A_553 : memref<1x8x1024xf32, #tpu.memory_space<hbm>> -> memref<8x1024xf32, #tpu.memory_space<hbm>>
      %dma_start3A_555 = arith.constant 0 : i32
      %dma_start3A_556 = tpu.memref_slice %arg3[%dma_start3A_548, %add3A_547, %dma_start3A_555] : memref<4x8192x1024xf32, #tpu.memory_space<hbm>> -> memref<1x8x1024xf32, #tpu.memory_space<hbm>>
      %dma_start3A_557 = tpu.memref_squeeze %dma_start3A_556 : memref<1x8x1024xf32, #tpu.memory_space<hbm>> -> memref<8x1024xf32, #tpu.memory_space<hbm>>
      %dma_start3A_558 = arith.constant 40 : i32
      %dma_start3A_559 = arith.constant 0 : i32
      %dma_start3A_560 = tpu.memref_slice %arg4[%dma_start3A_558, %dma_start3A_559] : memref<64x1024xf32, #tpu.memory_space<vmem>> -> memref<8x1024xf32, #tpu.memory_space<vmem>>
      tpu.enqueue_dma source(%dma_start3A_560 : memref<8x1024xf32, #tpu.memory_space<vmem>>) target(%dma_start3A_557 : memref<8x1024xf32, #tpu.memory_space<hbm>>) target_semaphore(%arg18 : memref<!tpu.dma_semaphore, #tpu.memory_space<semaphore_mem>>)
      %dma_wait3A_561 = arith.constant 48 : i32
      %dma_wait3A_562 = arith.constant 0 : i32
      %dma_wait3A_563 = tpu.memref_slice %arg4[%dma_wait3A_561, %dma_wait3A_562] : memref<64x1024xf32, #tpu.memory_space<vmem>> -> memref<8x1024xf32, #tpu.memory_space<vmem>>
      %dma_wait3A_564 = arith.constant 0 : i32
      %dma_wait3A_565 = tpu.memref_slice %arg2[%mul3A_2, %dma_wait3A_564] : memref<8192x1024xf32, #tpu.memory_space<hbm>> -> memref<8x1024xf32, #tpu.memory_space<hbm>>
      %dma_wait3A_566 = arith.constant 48 : i32
      %dma_wait3A_567 = arith.constant 0 : i32
      %dma_wait3A_568 = tpu.memref_slice %arg4[%dma_wait3A_566, %dma_wait3A_567] : memref<64x1024xf32, #tpu.memory_space<vmem>> -> memref<8x1024xf32, #tpu.memory_space<vmem>>
      %dma_wait3A_569 = arith.constant 0 : i32
      %dma_wait3A_570 = tpu.memref_slice %arg2[%mul3A_2, %dma_wait3A_569] : memref<8192x1024xf32, #tpu.memory_space<hbm>> -> memref<8x1024xf32, #tpu.memory_space<hbm>>
      tpu.wait_dma2 semaphore(%arg11 : memref<!tpu.dma_semaphore, #tpu.memory_space<semaphore_mem>>) src(%dma_wait3A_570 : memref<8x1024xf32, #tpu.memory_space<hbm>>) dst(%dma_wait3A_568 : memref<8x1024xf32, #tpu.memory_space<vmem>>)
      %add3A_571 = arith.constant 6 : i32
      %add3A_572 = arith.addi %mul3A_105, %add3A_571 : i32
      %mul3A_573 = arith.constant 8 : i32
      %mul3A_574 = arith.muli %add3A_572, %mul3A_573 : i32
      %add3A_575 = arith.addi %mul3A_2, %mul3A_574 : i32
      %dma_start3A_576 = arith.constant 0 : i32
      %dma_start3A_577 = arith.constant 48 : i32
      %dma_start3A_578 = arith.constant 0 : i32
      %dma_start3A_579 = tpu.memref_slice %arg4[%dma_start3A_577, %dma_start3A_578] : memref<64x1024xf32, #tpu.memory_space<vmem>> -> memref<8x1024xf32, #tpu.memory_space<vmem>>
      %dma_start3A_580 = arith.constant 0 : i32
      %dma_start3A_581 = tpu.memref_slice %arg3[%dma_start3A_576, %add3A_575, %dma_start3A_580] : memref<4x8192x1024xf32, #tpu.memory_space<hbm>> -> memref<1x8x1024xf32, #tpu.memory_space<hbm>>
      %dma_start3A_582 = tpu.memref_squeeze %dma_start3A_581 : memref<1x8x1024xf32, #tpu.memory_space<hbm>> -> memref<8x1024xf32, #tpu.memory_space<hbm>>
      %dma_start3A_583 = arith.constant 0 : i32
      %dma_start3A_584 = tpu.memref_slice %arg3[%dma_start3A_576, %add3A_575, %dma_start3A_583] : memref<4x8192x1024xf32, #tpu.memory_space<hbm>> -> memref<1x8x1024xf32, #tpu.memory_space<hbm>>
      %dma_start3A_585 = tpu.memref_squeeze %dma_start3A_584 : memref<1x8x1024xf32, #tpu.memory_space<hbm>> -> memref<8x1024xf32, #tpu.memory_space<hbm>>
      %dma_start3A_586 = arith.constant 48 : i32
      %dma_start3A_587 = arith.constant 0 : i32
      %dma_start3A_588 = tpu.memref_slice %arg4[%dma_start3A_586, %dma_start3A_587] : memref<64x1024xf32, #tpu.memory_space<vmem>> -> memref<8x1024xf32, #tpu.memory_space<vmem>>
      tpu.enqueue_dma source(%dma_start3A_588 : memref<8x1024xf32, #tpu.memory_space<vmem>>) target(%dma_start3A_585 : memref<8x1024xf32, #tpu.memory_space<hbm>>) target_semaphore(%arg19 : memref<!tpu.dma_semaphore, #tpu.memory_space<semaphore_mem>>)
      %mul3A_589 = arith.constant 8 : i32
      %mul3A_590 = arith.muli %add3A_572, %mul3A_589 : i32
      %add3A_591 = arith.addi %mul3A_2, %mul3A_590 : i32
      %dma_start3A_592 = arith.constant 1 : i32
      %dma_start3A_593 = arith.constant 48 : i32
      %dma_start3A_594 = arith.constant 0 : i32
      %dma_start3A_595 = tpu.memref_slice %arg4[%dma_start3A_593, %dma_start3A_594] : memref<64x1024xf32, #tpu.memory_space<vmem>> -> memref<8x1024xf32, #tpu.memory_space<vmem>>
      %dma_start3A_596 = arith.constant 0 : i32
      %dma_start3A_597 = tpu.memref_slice %arg3[%dma_start3A_592, %add3A_591, %dma_start3A_596] : memref<4x8192x1024xf32, #tpu.memory_space<hbm>> -> memref<1x8x1024xf32, #tpu.memory_space<hbm>>
      %dma_start3A_598 = tpu.memref_squeeze %dma_start3A_597 : memref<1x8x1024xf32, #tpu.memory_space<hbm>> -> memref<8x1024xf32, #tpu.memory_space<hbm>>
      %dma_start3A_599 = arith.constant 0 : i32
      %dma_start3A_600 = tpu.memref_slice %arg3[%dma_start3A_592, %add3A_591, %dma_start3A_599] : memref<4x8192x1024xf32, #tpu.memory_space<hbm>> -> memref<1x8x1024xf32, #tpu.memory_space<hbm>>
      %dma_start3A_601 = tpu.memref_squeeze %dma_start3A_600 : memref<1x8x1024xf32, #tpu.memory_space<hbm>> -> memref<8x1024xf32, #tpu.memory_space<hbm>>
      %dma_start3A_602 = arith.constant 48 : i32
      %dma_start3A_603 = arith.constant 0 : i32
      %dma_start3A_604 = tpu.memref_slice %arg4[%dma_start3A_602, %dma_start3A_603] : memref<64x1024xf32, #tpu.memory_space<vmem>> -> memref<8x1024xf32, #tpu.memory_space<vmem>>
      tpu.enqueue_dma source(%dma_start3A_604 : memref<8x1024xf32, #tpu.memory_space<vmem>>) target(%dma_start3A_601 : memref<8x1024xf32, #tpu.memory_space<hbm>>) target_semaphore(%arg19 : memref<!tpu.dma_semaphore, #tpu.memory_space<semaphore_mem>>)
      %mul3A_605 = arith.constant 8 : i32
      %mul3A_606 = arith.muli %add3A_572, %mul3A_605 : i32
      %add3A_607 = arith.addi %mul3A_2, %mul3A_606 : i32
      %dma_start3A_608 = arith.constant 2 : i32
      %dma_start3A_609 = arith.constant 48 : i32
      %dma_start3A_610 = arith.constant 0 : i32
      %dma_start3A_611 = tpu.memref_slice %arg4[%dma_start3A_609, %dma_start3A_610] : memref<64x1024xf32, #tpu.memory_space<vmem>> -> memref<8x1024xf32, #tpu.memory_space<vmem>>
      %dma_start3A_612 = arith.constant 0 : i32
      %dma_start3A_613 = tpu.memref_slice %arg3[%dma_start3A_608, %add3A_607, %dma_start3A_612] : memref<4x8192x1024xf32, #tpu.memory_space<hbm>> -> memref<1x8x1024xf32, #tpu.memory_space<hbm>>
      %dma_start3A_614 = tpu.memref_squeeze %dma_start3A_613 : memref<1x8x1024xf32, #tpu.memory_space<hbm>> -> memref<8x1024xf32, #tpu.memory_space<hbm>>
      %dma_start3A_615 = arith.constant 0 : i32
      %dma_start3A_616 = tpu.memref_slice %arg3[%dma_start3A_608, %add3A_607, %dma_start3A_615] : memref<4x8192x1024xf32, #tpu.memory_space<hbm>> -> memref<1x8x1024xf32, #tpu.memory_space<hbm>>
      %dma_start3A_617 = tpu.memref_squeeze %dma_start3A_616 : memref<1x8x1024xf32, #tpu.memory_space<hbm>> -> memref<8x1024xf32, #tpu.memory_space<hbm>>
      %dma_start3A_618 = arith.constant 48 : i32
      %dma_start3A_619 = arith.constant 0 : i32
      %dma_start3A_620 = tpu.memref_slice %arg4[%dma_start3A_618, %dma_start3A_619] : memref<64x1024xf32, #tpu.memory_space<vmem>> -> memref<8x1024xf32, #tpu.memory_space<vmem>>
      tpu.enqueue_dma source(%dma_start3A_620 : memref<8x1024xf32, #tpu.memory_space<vmem>>) target(%dma_start3A_617 : memref<8x1024xf32, #tpu.memory_space<hbm>>) target_semaphore(%arg19 : memref<!tpu.dma_semaphore, #tpu.memory_space<semaphore_mem>>)
      %mul3A_621 = arith.constant 8 : i32
      %mul3A_622 = arith.muli %add3A_572, %mul3A_621 : i32
      %add3A_623 = arith.addi %mul3A_2, %mul3A_622 : i32
      %dma_start3A_624 = arith.constant 3 : i32
      %dma_start3A_625 = arith.constant 48 : i32
      %dma_start3A_626 = arith.constant 0 : i32
      %dma_start3A_627 = tpu.memref_slice %arg4[%dma_start3A_625, %dma_start3A_626] : memref<64x1024xf32, #tpu.memory_space<vmem>> -> memref<8x1024xf32, #tpu.memory_space<vmem>>
      %dma_start3A_628 = arith.constant 0 : i32
      %dma_start3A_629 = tpu.memref_slice %arg3[%dma_start3A_624, %add3A_623, %dma_start3A_628] : memref<4x8192x1024xf32, #tpu.memory_space<hbm>> -> memref<1x8x1024xf32, #tpu.memory_space<hbm>>
      %dma_start3A_630 = tpu.memref_squeeze %dma_start3A_629 : memref<1x8x1024xf32, #tpu.memory_space<hbm>> -> memref<8x1024xf32, #tpu.memory_space<hbm>>
      %dma_start3A_631 = arith.constant 0 : i32
      %dma_start3A_632 = tpu.memref_slice %arg3[%dma_start3A_624, %add3A_623, %dma_start3A_631] : memref<4x8192x1024xf32, #tpu.memory_space<hbm>> -> memref<1x8x1024xf32, #tpu.memory_space<hbm>>
      %dma_start3A_633 = tpu.memref_squeeze %dma_start3A_632 : memref<1x8x1024xf32, #tpu.memory_space<hbm>> -> memref<8x1024xf32, #tpu.memory_space<hbm>>
      %dma_start3A_634 = arith.constant 48 : i32
      %dma_start3A_635 = arith.constant 0 : i32
      %dma_start3A_636 = tpu.memref_slice %arg4[%dma_start3A_634, %dma_start3A_635] : memref<64x1024xf32, #tpu.memory_space<vmem>> -> memref<8x1024xf32, #tpu.memory_space<vmem>>
      tpu.enqueue_dma source(%dma_start3A_636 : memref<8x1024xf32, #tpu.memory_space<vmem>>) target(%dma_start3A_633 : memref<8x1024xf32, #tpu.memory_space<hbm>>) target_semaphore(%arg19 : memref<!tpu.dma_semaphore, #tpu.memory_space<semaphore_mem>>)
      %dma_wait3A_637 = arith.constant 56 : i32
      %dma_wait3A_638 = arith.constant 0 : i32
      %dma_wait3A_639 = tpu.memref_slice %arg4[%dma_wait3A_637, %dma_wait3A_638] : memref<64x1024xf32, #tpu.memory_space<vmem>> -> memref<8x1024xf32, #tpu.memory_space<vmem>>
      %dma_wait3A_640 = arith.constant 0 : i32
      %dma_wait3A_641 = tpu.memref_slice %arg2[%mul3A_2, %dma_wait3A_640] : memref<8192x1024xf32, #tpu.memory_space<hbm>> -> memref<8x1024xf32, #tpu.memory_space<hbm>>
      %dma_wait3A_642 = arith.constant 56 : i32
      %dma_wait3A_643 = arith.constant 0 : i32
      %dma_wait3A_644 = tpu.memref_slice %arg4[%dma_wait3A_642, %dma_wait3A_643] : memref<64x1024xf32, #tpu.memory_space<vmem>> -> memref<8x1024xf32, #tpu.memory_space<vmem>>
      %dma_wait3A_645 = arith.constant 0 : i32
      %dma_wait3A_646 = tpu.memref_slice %arg2[%mul3A_2, %dma_wait3A_645] : memref<8192x1024xf32, #tpu.memory_space<hbm>> -> memref<8x1024xf32, #tpu.memory_space<hbm>>
      tpu.wait_dma2 semaphore(%arg12 : memref<!tpu.dma_semaphore, #tpu.memory_space<semaphore_mem>>) src(%dma_wait3A_646 : memref<8x1024xf32, #tpu.memory_space<hbm>>) dst(%dma_wait3A_644 : memref<8x1024xf32, #tpu.memory_space<vmem>>)
      %add3A_647 = arith.constant 7 : i32
      %add3A_648 = arith.addi %mul3A_105, %add3A_647 : i32
      %mul3A_649 = arith.constant 8 : i32
      %mul3A_650 = arith.muli %add3A_648, %mul3A_649 : i32
      %add3A_651 = arith.addi %mul3A_2, %mul3A_650 : i32
      %dma_start3A_652 = arith.constant 0 : i32
      %dma_start3A_653 = arith.constant 56 : i32
      %dma_start3A_654 = arith.constant 0 : i32
      %dma_start3A_655 = tpu.memref_slice %arg4[%dma_start3A_653, %dma_start3A_654] : memref<64x1024xf32, #tpu.memory_space<vmem>> -> memref<8x1024xf32, #tpu.memory_space<vmem>>
      %dma_start3A_656 = arith.constant 0 : i32
      %dma_start3A_657 = tpu.memref_slice %arg3[%dma_start3A_652, %add3A_651, %dma_start3A_656] : memref<4x8192x1024xf32, #tpu.memory_space<hbm>> -> memref<1x8x1024xf32, #tpu.memory_space<hbm>>
      %dma_start3A_658 = tpu.memref_squeeze %dma_start3A_657 : memref<1x8x1024xf32, #tpu.memory_space<hbm>> -> memref<8x1024xf32, #tpu.memory_space<hbm>>
      %dma_start3A_659 = arith.constant 0 : i32
      %dma_start3A_660 = tpu.memref_slice %arg3[%dma_start3A_652, %add3A_651, %dma_start3A_659] : memref<4x8192x1024xf32, #tpu.memory_space<hbm>> -> memref<1x8x1024xf32, #tpu.memory_space<hbm>>
      %dma_start3A_661 = tpu.memref_squeeze %dma_start3A_660 : memref<1x8x1024xf32, #tpu.memory_space<hbm>> -> memref<8x1024xf32, #tpu.memory_space<hbm>>
      %dma_start3A_662 = arith.constant 56 : i32
      %dma_start3A_663 = arith.constant 0 : i32
      %dma_start3A_664 = tpu.memref_slice %arg4[%dma_start3A_662, %dma_start3A_663] : memref<64x1024xf32, #tpu.memory_space<vmem>> -> memref<8x1024xf32, #tpu.memory_space<vmem>>
      tpu.enqueue_dma source(%dma_start3A_664 : memref<8x1024xf32, #tpu.memory_space<vmem>>) target(%dma_start3A_661 : memref<8x1024xf32, #tpu.memory_space<hbm>>) target_semaphore(%arg20 : memref<!tpu.dma_semaphore, #tpu.memory_space<semaphore_mem>>)
      %mul3A_665 = arith.constant 8 : i32
      %mul3A_666 = arith.muli %add3A_648, %mul3A_665 : i32
      %add3A_667 = arith.addi %mul3A_2, %mul3A_666 : i32
      %dma_start3A_668 = arith.constant 1 : i32
      %dma_start3A_669 = arith.constant 56 : i32
      %dma_start3A_670 = arith.constant 0 : i32
      %dma_start3A_671 = tpu.memref_slice %arg4[%dma_start3A_669, %dma_start3A_670] : memref<64x1024xf32, #tpu.memory_space<vmem>> -> memref<8x1024xf32, #tpu.memory_space<vmem>>
      %dma_start3A_672 = arith.constant 0 : i32
      %dma_start3A_673 = tpu.memref_slice %arg3[%dma_start3A_668, %add3A_667, %dma_start3A_672] : memref<4x8192x1024xf32, #tpu.memory_space<hbm>> -> memref<1x8x1024xf32, #tpu.memory_space<hbm>>
      %dma_start3A_674 = tpu.memref_squeeze %dma_start3A_673 : memref<1x8x1024xf32, #tpu.memory_space<hbm>> -> memref<8x1024xf32, #tpu.memory_space<hbm>>
      %dma_start3A_675 = arith.constant 0 : i32
      %dma_start3A_676 = tpu.memref_slice %arg3[%dma_start3A_668, %add3A_667, %dma_start3A_675] : memref<4x8192x1024xf32, #tpu.memory_space<hbm>> -> memref<1x8x1024xf32, #tpu.memory_space<hbm>>
      %dma_start3A_677 = tpu.memref_squeeze %dma_start3A_676 : memref<1x8x1024xf32, #tpu.memory_space<hbm>> -> memref<8x1024xf32, #tpu.memory_space<hbm>>
      %dma_start3A_678 = arith.constant 56 : i32
      %dma_start3A_679 = arith.constant 0 : i32
      %dma_start3A_680 = tpu.memref_slice %arg4[%dma_start3A_678, %dma_start3A_679] : memref<64x1024xf32, #tpu.memory_space<vmem>> -> memref<8x1024xf32, #tpu.memory_space<vmem>>
      tpu.enqueue_dma source(%dma_start3A_680 : memref<8x1024xf32, #tpu.memory_space<vmem>>) target(%dma_start3A_677 : memref<8x1024xf32, #tpu.memory_space<hbm>>) target_semaphore(%arg20 : memref<!tpu.dma_semaphore, #tpu.memory_space<semaphore_mem>>)
      %mul3A_681 = arith.constant 8 : i32
      %mul3A_682 = arith.muli %add3A_648, %mul3A_681 : i32
      %add3A_683 = arith.addi %mul3A_2, %mul3A_682 : i32
      %dma_start3A_684 = arith.constant 2 : i32
      %dma_start3A_685 = arith.constant 56 : i32
      %dma_start3A_686 = arith.constant 0 : i32
      %dma_start3A_687 = tpu.memref_slice %arg4[%dma_start3A_685, %dma_start3A_686] : memref<64x1024xf32, #tpu.memory_space<vmem>> -> memref<8x1024xf32, #tpu.memory_space<vmem>>
      %dma_start3A_688 = arith.constant 0 : i32
      %dma_start3A_689 = tpu.memref_slice %arg3[%dma_start3A_684, %add3A_683, %dma_start3A_688] : memref<4x8192x1024xf32, #tpu.memory_space<hbm>> -> memref<1x8x1024xf32, #tpu.memory_space<hbm>>
      %dma_start3A_690 = tpu.memref_squeeze %dma_start3A_689 : memref<1x8x1024xf32, #tpu.memory_space<hbm>> -> memref<8x1024xf32, #tpu.memory_space<hbm>>
      %dma_start3A_691 = arith.constant 0 : i32
      %dma_start3A_692 = tpu.memref_slice %arg3[%dma_start3A_684, %add3A_683, %dma_start3A_691] : memref<4x8192x1024xf32, #tpu.memory_space<hbm>> -> memref<1x8x1024xf32, #tpu.memory_space<hbm>>
      %dma_start3A_693 = tpu.memref_squeeze %dma_start3A_692 : memref<1x8x1024xf32, #tpu.memory_space<hbm>> -> memref<8x1024xf32, #tpu.memory_space<hbm>>
      %dma_start3A_694 = arith.constant 56 : i32
      %dma_start3A_695 = arith.constant 0 : i32
      %dma_start3A_696 = tpu.memref_slice %arg4[%dma_start3A_694, %dma_start3A_695] : memref<64x1024xf32, #tpu.memory_space<vmem>> -> memref<8x1024xf32, #tpu.memory_space<vmem>>
      tpu.enqueue_dma source(%dma_start3A_696 : memref<8x1024xf32, #tpu.memory_space<vmem>>) target(%dma_start3A_693 : memref<8x1024xf32, #tpu.memory_space<hbm>>) target_semaphore(%arg20 : memref<!tpu.dma_semaphore, #tpu.memory_space<semaphore_mem>>)
      %mul3A_697 = arith.constant 8 : i32
      %mul3A_698 = arith.muli %add3A_648, %mul3A_697 : i32
      %add3A_699 = arith.addi %mul3A_2, %mul3A_698 : i32
      %dma_start3A_700 = arith.constant 3 : i32
      %dma_start3A_701 = arith.constant 56 : i32
      %dma_start3A_702 = arith.constant 0 : i32
      %dma_start3A_703 = tpu.memref_slice %arg4[%dma_start3A_701, %dma_start3A_702] : memref<64x1024xf32, #tpu.memory_space<vmem>> -> memref<8x1024xf32, #tpu.memory_space<vmem>>
      %dma_start3A_704 = arith.constant 0 : i32
      %dma_start3A_705 = tpu.memref_slice %arg3[%dma_start3A_700, %add3A_699, %dma_start3A_704] : memref<4x8192x1024xf32, #tpu.memory_space<hbm>> -> memref<1x8x1024xf32, #tpu.memory_space<hbm>>
      %dma_start3A_706 = tpu.memref_squeeze %dma_start3A_705 : memref<1x8x1024xf32, #tpu.memory_space<hbm>> -> memref<8x1024xf32, #tpu.memory_space<hbm>>
      %dma_start3A_707 = arith.constant 0 : i32
      %dma_start3A_708 = tpu.memref_slice %arg3[%dma_start3A_700, %add3A_699, %dma_start3A_707] : memref<4x8192x1024xf32, #tpu.memory_space<hbm>> -> memref<1x8x1024xf32, #tpu.memory_space<hbm>>
      %dma_start3A_709 = tpu.memref_squeeze %dma_start3A_708 : memref<1x8x1024xf32, #tpu.memory_space<hbm>> -> memref<8x1024xf32, #tpu.memory_space<hbm>>
      %dma_start3A_710 = arith.constant 56 : i32
      %dma_start3A_711 = arith.constant 0 : i32
      %dma_start3A_712 = tpu.memref_slice %arg4[%dma_start3A_710, %dma_start3A_711] : memref<64x1024xf32, #tpu.memory_space<vmem>> -> memref<8x1024xf32, #tpu.memory_space<vmem>>
      tpu.enqueue_dma source(%dma_start3A_712 : memref<8x1024xf32, #tpu.memory_space<vmem>>) target(%dma_start3A_709 : memref<8x1024xf32, #tpu.memory_space<hbm>>) target_semaphore(%arg20 : memref<!tpu.dma_semaphore, #tpu.memory_space<semaphore_mem>>)
      %add3A_713 = arith.constant 8 : i32
      %add3A_714 = arith.addi %mul3A_105, %add3A_713 : i32
      %add3A_715 = arith.constant 0 : i32
      %add3A_716 = arith.addi %add3A_714, %add3A_715 : i32
      %dma_wait3A_717 = arith.constant 0 : i32
      %dma_wait3A_718 = arith.constant 0 : i32
      %dma_wait3A_719 = tpu.memref_slice %arg4[%dma_wait3A_717, %dma_wait3A_718] : memref<64x1024xf32, #tpu.memory_space<vmem>> -> memref<32x1024xf32, #tpu.memory_space<vmem>>
      %dma_wait3A_720 = arith.constant 0 : i32
      %dma_wait3A_721 = tpu.memref_slice %arg2[%mul3A_2, %dma_wait3A_720] : memref<8192x1024xf32, #tpu.memory_space<hbm>> -> memref<32x1024xf32, #tpu.memory_space<hbm>>
      %dma_wait3A_722 = arith.constant 0 : i32
      %dma_wait3A_723 = arith.constant 0 : i32
      %dma_wait3A_724 = tpu.memref_slice %arg4[%dma_wait3A_722, %dma_wait3A_723] : memref<64x1024xf32, #tpu.memory_space<vmem>> -> memref<32x1024xf32, #tpu.memory_space<vmem>>
      %dma_wait3A_725 = arith.constant 0 : i32
      %dma_wait3A_726 = tpu.memref_slice %arg2[%mul3A_2, %dma_wait3A_725] : memref<8192x1024xf32, #tpu.memory_space<hbm>> -> memref<32x1024xf32, #tpu.memory_space<hbm>>
      tpu.wait_dma2 semaphore(%arg13 : memref<!tpu.dma_semaphore, #tpu.memory_space<semaphore_mem>>) src(%dma_wait3A_726 : memref<32x1024xf32, #tpu.memory_space<hbm>>) dst(%dma_wait3A_724 : memref<32x1024xf32, #tpu.memory_space<vmem>>)
      %lt3A = arith.constant 32 : i32
      %lt3A_727 = arith.cmpi slt, %add3A_716, %lt3A : i32
      %convert_element_type3A = arith.extui %lt3A_727 : i1 to i32
      %cond3A = arith.constant 0 : i32
      %cond3A_728 = arith.cmpi ne, %convert_element_type3A, %cond3A : i32
      scf.if %cond3A_728 {
        %mul3A_862 = arith.constant 8 : i32
        %mul3A_863 = arith.muli %add3A_716, %mul3A_862 : i32
        %add3A_864 = arith.addi %mul3A_2, %mul3A_863 : i32
        %dma_start3A_865 = arith.constant 0 : i32
        %dma_start3A_866 = arith.constant 0 : i32
        %dma_start3A_867 = tpu.memref_slice %arg4[%dma_start3A_865, %dma_start3A_866] : memref<64x1024xf32, #tpu.memory_space<vmem>> -> memref<8x1024xf32, #tpu.memory_space<vmem>>
        %dma_start3A_868 = arith.constant 0 : i32
        %dma_start3A_869 = tpu.memref_slice %arg2[%add3A_864, %dma_start3A_868] : memref<8192x1024xf32, #tpu.memory_space<hbm>> -> memref<8x1024xf32, #tpu.memory_space<hbm>>
        %dma_start3A_870 = arith.constant 0 : i32
        %dma_start3A_871 = arith.constant 0 : i32
        %dma_start3A_872 = tpu.memref_slice %arg4[%dma_start3A_870, %dma_start3A_871] : memref<64x1024xf32, #tpu.memory_space<vmem>> -> memref<8x1024xf32, #tpu.memory_space<vmem>>
        %dma_start3A_873 = arith.constant 0 : i32
        %dma_start3A_874 = tpu.memref_slice %arg2[%add3A_864, %dma_start3A_873] : memref<8192x1024xf32, #tpu.memory_space<hbm>> -> memref<8x1024xf32, #tpu.memory_space<hbm>>
        tpu.enqueue_dma source(%dma_start3A_874 : memref<8x1024xf32, #tpu.memory_space<hbm>>) target(%dma_start3A_872 : memref<8x1024xf32, #tpu.memory_space<vmem>>) target_semaphore(%arg5 : memref<!tpu.dma_semaphore, #tpu.memory_space<semaphore_mem>>)
      } else {
      }
      %add3A_729 = arith.constant 8 : i32
      %add3A_730 = arith.addi %mul3A_105, %add3A_729 : i32
      %add3A_731 = arith.constant 1 : i32
      %add3A_732 = arith.addi %add3A_730, %add3A_731 : i32
      %dma_wait3A_733 = arith.constant 0 : i32
      %dma_wait3A_734 = arith.constant 0 : i32
      %dma_wait3A_735 = tpu.memref_slice %arg4[%dma_wait3A_733, %dma_wait3A_734] : memref<64x1024xf32, #tpu.memory_space<vmem>> -> memref<32x1024xf32, #tpu.memory_space<vmem>>
      %dma_wait3A_736 = arith.constant 0 : i32
      %dma_wait3A_737 = tpu.memref_slice %arg2[%mul3A_2, %dma_wait3A_736] : memref<8192x1024xf32, #tpu.memory_space<hbm>> -> memref<32x1024xf32, #tpu.memory_space<hbm>>
      %dma_wait3A_738 = arith.constant 0 : i32
      %dma_wait3A_739 = arith.constant 0 : i32
      %dma_wait3A_740 = tpu.memref_slice %arg4[%dma_wait3A_738, %dma_wait3A_739] : memref<64x1024xf32, #tpu.memory_space<vmem>> -> memref<32x1024xf32, #tpu.memory_space<vmem>>
      %dma_wait3A_741 = arith.constant 0 : i32
      %dma_wait3A_742 = tpu.memref_slice %arg2[%mul3A_2, %dma_wait3A_741] : memref<8192x1024xf32, #tpu.memory_space<hbm>> -> memref<32x1024xf32, #tpu.memory_space<hbm>>
      tpu.wait_dma2 semaphore(%arg14 : memref<!tpu.dma_semaphore, #tpu.memory_space<semaphore_mem>>) src(%dma_wait3A_742 : memref<32x1024xf32, #tpu.memory_space<hbm>>) dst(%dma_wait3A_740 : memref<32x1024xf32, #tpu.memory_space<vmem>>)
      %lt3A_743 = arith.constant 32 : i32
      %lt3A_744 = arith.cmpi slt, %add3A_732, %lt3A_743 : i32
      %convert_element_type3A_745 = arith.extui %lt3A_744 : i1 to i32
      %cond3A_746 = arith.constant 0 : i32
      %cond3A_747 = arith.cmpi ne, %convert_element_type3A_745, %cond3A_746 : i32
      scf.if %cond3A_747 {
        %mul3A_862 = arith.constant 8 : i32
        %mul3A_863 = arith.muli %add3A_732, %mul3A_862 : i32
        %add3A_864 = arith.addi %mul3A_2, %mul3A_863 : i32
        %dma_start3A_865 = arith.constant 8 : i32
        %dma_start3A_866 = arith.constant 0 : i32
        %dma_start3A_867 = tpu.memref_slice %arg4[%dma_start3A_865, %dma_start3A_866] : memref<64x1024xf32, #tpu.memory_space<vmem>> -> memref<8x1024xf32, #tpu.memory_space<vmem>>
        %dma_start3A_868 = arith.constant 0 : i32
        %dma_start3A_869 = tpu.memref_slice %arg2[%add3A_864, %dma_start3A_868] : memref<8192x1024xf32, #tpu.memory_space<hbm>> -> memref<8x1024xf32, #tpu.memory_space<hbm>>
        %dma_start3A_870 = arith.constant 8 : i32
        %dma_start3A_871 = arith.constant 0 : i32
        %dma_start3A_872 = tpu.memref_slice %arg4[%dma_start3A_870, %dma_start3A_871] : memref<64x1024xf32, #tpu.memory_space<vmem>> -> memref<8x1024xf32, #tpu.memory_space<vmem>>
        %dma_start3A_873 = arith.constant 0 : i32
        %dma_start3A_874 = tpu.memref_slice %arg2[%add3A_864, %dma_start3A_873] : memref<8192x1024xf32, #tpu.memory_space<hbm>> -> memref<8x1024xf32, #tpu.memory_space<hbm>>
        tpu.enqueue_dma source(%dma_start3A_874 : memref<8x1024xf32, #tpu.memory_space<hbm>>) target(%dma_start3A_872 : memref<8x1024xf32, #tpu.memory_space<vmem>>) target_semaphore(%arg6 : memref<!tpu.dma_semaphore, #tpu.memory_space<semaphore_mem>>)
      } else {
      }
      %add3A_748 = arith.constant 8 : i32
      %add3A_749 = arith.addi %mul3A_105, %add3A_748 : i32
      %add3A_750 = arith.constant 2 : i32
      %add3A_751 = arith.addi %add3A_749, %add3A_750 : i32
      %dma_wait3A_752 = arith.constant 0 : i32
      %dma_wait3A_753 = arith.constant 0 : i32
      %dma_wait3A_754 = tpu.memref_slice %arg4[%dma_wait3A_752, %dma_wait3A_753] : memref<64x1024xf32, #tpu.memory_space<vmem>> -> memref<32x1024xf32, #tpu.memory_space<vmem>>
      %dma_wait3A_755 = arith.constant 0 : i32
      %dma_wait3A_756 = tpu.memref_slice %arg2[%mul3A_2, %dma_wait3A_755] : memref<8192x1024xf32, #tpu.memory_space<hbm>> -> memref<32x1024xf32, #tpu.memory_space<hbm>>
      %dma_wait3A_757 = arith.constant 0 : i32
      %dma_wait3A_758 = arith.constant 0 : i32
      %dma_wait3A_759 = tpu.memref_slice %arg4[%dma_wait3A_757, %dma_wait3A_758] : memref<64x1024xf32, #tpu.memory_space<vmem>> -> memref<32x1024xf32, #tpu.memory_space<vmem>>
      %dma_wait3A_760 = arith.constant 0 : i32
      %dma_wait3A_761 = tpu.memref_slice %arg2[%mul3A_2, %dma_wait3A_760] : memref<8192x1024xf32, #tpu.memory_space<hbm>> -> memref<32x1024xf32, #tpu.memory_space<hbm>>
      tpu.wait_dma2 semaphore(%arg15 : memref<!tpu.dma_semaphore, #tpu.memory_space<semaphore_mem>>) src(%dma_wait3A_761 : memref<32x1024xf32, #tpu.memory_space<hbm>>) dst(%dma_wait3A_759 : memref<32x1024xf32, #tpu.memory_space<vmem>>)
      %lt3A_762 = arith.constant 32 : i32
      %lt3A_763 = arith.cmpi slt, %add3A_751, %lt3A_762 : i32
      %convert_element_type3A_764 = arith.extui %lt3A_763 : i1 to i32
      %cond3A_765 = arith.constant 0 : i32
      %cond3A_766 = arith.cmpi ne, %convert_element_type3A_764, %cond3A_765 : i32
      scf.if %cond3A_766 {
        %mul3A_862 = arith.constant 8 : i32
        %mul3A_863 = arith.muli %add3A_751, %mul3A_862 : i32
        %add3A_864 = arith.addi %mul3A_2, %mul3A_863 : i32
        %dma_start3A_865 = arith.constant 16 : i32
        %dma_start3A_866 = arith.constant 0 : i32
        %dma_start3A_867 = tpu.memref_slice %arg4[%dma_start3A_865, %dma_start3A_866] : memref<64x1024xf32, #tpu.memory_space<vmem>> -> memref<8x1024xf32, #tpu.memory_space<vmem>>
        %dma_start3A_868 = arith.constant 0 : i32
        %dma_start3A_869 = tpu.memref_slice %arg2[%add3A_864, %dma_start3A_868] : memref<8192x1024xf32, #tpu.memory_space<hbm>> -> memref<8x1024xf32, #tpu.memory_space<hbm>>
        %dma_start3A_870 = arith.constant 16 : i32
        %dma_start3A_871 = arith.constant 0 : i32
        %dma_start3A_872 = tpu.memref_slice %arg4[%dma_start3A_870, %dma_start3A_871] : memref<64x1024xf32, #tpu.memory_space<vmem>> -> memref<8x1024xf32, #tpu.memory_space<vmem>>
        %dma_start3A_873 = arith.constant 0 : i32
        %dma_start3A_874 = tpu.memref_slice %arg2[%add3A_864, %dma_start3A_873] : memref<8192x1024xf32, #tpu.memory_space<hbm>> -> memref<8x1024xf32, #tpu.memory_space<hbm>>
        tpu.enqueue_dma source(%dma_start3A_874 : memref<8x1024xf32, #tpu.memory_space<hbm>>) target(%dma_start3A_872 : memref<8x1024xf32, #tpu.memory_space<vmem>>) target_semaphore(%arg7 : memref<!tpu.dma_semaphore, #tpu.memory_space<semaphore_mem>>)
      } else {
      }
      %add3A_767 = arith.constant 8 : i32
      %add3A_768 = arith.addi %mul3A_105, %add3A_767 : i32
      %add3A_769 = arith.constant 3 : i32
      %add3A_770 = arith.addi %add3A_768, %add3A_769 : i32
      %dma_wait3A_771 = arith.constant 0 : i32
      %dma_wait3A_772 = arith.constant 0 : i32
      %dma_wait3A_773 = tpu.memref_slice %arg4[%dma_wait3A_771, %dma_wait3A_772] : memref<64x1024xf32, #tpu.memory_space<vmem>> -> memref<32x1024xf32, #tpu.memory_space<vmem>>
      %dma_wait3A_774 = arith.constant 0 : i32
      %dma_wait3A_775 = tpu.memref_slice %arg2[%mul3A_2, %dma_wait3A_774] : memref<8192x1024xf32, #tpu.memory_space<hbm>> -> memref<32x1024xf32, #tpu.memory_space<hbm>>
      %dma_wait3A_776 = arith.constant 0 : i32
      %dma_wait3A_777 = arith.constant 0 : i32
      %dma_wait3A_778 = tpu.memref_slice %arg4[%dma_wait3A_776, %dma_wait3A_777] : memref<64x1024xf32, #tpu.memory_space<vmem>> -> memref<32x1024xf32, #tpu.memory_space<vmem>>
      %dma_wait3A_779 = arith.constant 0 : i32
      %dma_wait3A_780 = tpu.memref_slice %arg2[%mul3A_2, %dma_wait3A_779] : memref<8192x1024xf32, #tpu.memory_space<hbm>> -> memref<32x1024xf32, #tpu.memory_space<hbm>>
      tpu.wait_dma2 semaphore(%arg16 : memref<!tpu.dma_semaphore, #tpu.memory_space<semaphore_mem>>) src(%dma_wait3A_780 : memref<32x1024xf32, #tpu.memory_space<hbm>>) dst(%dma_wait3A_778 : memref<32x1024xf32, #tpu.memory_space<vmem>>)
      %lt3A_781 = arith.constant 32 : i32
      %lt3A_782 = arith.cmpi slt, %add3A_770, %lt3A_781 : i32
      %convert_element_type3A_783 = arith.extui %lt3A_782 : i1 to i32
      %cond3A_784 = arith.constant 0 : i32
      %cond3A_785 = arith.cmpi ne, %convert_element_type3A_783, %cond3A_784 : i32
      scf.if %cond3A_785 {
        %mul3A_862 = arith.constant 8 : i32
        %mul3A_863 = arith.muli %add3A_770, %mul3A_862 : i32
        %add3A_864 = arith.addi %mul3A_2, %mul3A_863 : i32
        %dma_start3A_865 = arith.constant 24 : i32
        %dma_start3A_866 = arith.constant 0 : i32
        %dma_start3A_867 = tpu.memref_slice %arg4[%dma_start3A_865, %dma_start3A_866] : memref<64x1024xf32, #tpu.memory_space<vmem>> -> memref<8x1024xf32, #tpu.memory_space<vmem>>
        %dma_start3A_868 = arith.constant 0 : i32
        %dma_start3A_869 = tpu.memref_slice %arg2[%add3A_864, %dma_start3A_868] : memref<8192x1024xf32, #tpu.memory_space<hbm>> -> memref<8x1024xf32, #tpu.memory_space<hbm>>
        %dma_start3A_870 = arith.constant 24 : i32
        %dma_start3A_871 = arith.constant 0 : i32
        %dma_start3A_872 = tpu.memref_slice %arg4[%dma_start3A_870, %dma_start3A_871] : memref<64x1024xf32, #tpu.memory_space<vmem>> -> memref<8x1024xf32, #tpu.memory_space<vmem>>
        %dma_start3A_873 = arith.constant 0 : i32
        %dma_start3A_874 = tpu.memref_slice %arg2[%add3A_864, %dma_start3A_873] : memref<8192x1024xf32, #tpu.memory_space<hbm>> -> memref<8x1024xf32, #tpu.memory_space<hbm>>
        tpu.enqueue_dma source(%dma_start3A_874 : memref<8x1024xf32, #tpu.memory_space<hbm>>) target(%dma_start3A_872 : memref<8x1024xf32, #tpu.memory_space<vmem>>) target_semaphore(%arg8 : memref<!tpu.dma_semaphore, #tpu.memory_space<semaphore_mem>>)
      } else {
      }
      %add3A_786 = arith.constant 8 : i32
      %add3A_787 = arith.addi %mul3A_105, %add3A_786 : i32
      %add3A_788 = arith.constant 4 : i32
      %add3A_789 = arith.addi %add3A_787, %add3A_788 : i32
      %dma_wait3A_790 = arith.constant 0 : i32
      %dma_wait3A_791 = arith.constant 0 : i32
      %dma_wait3A_792 = tpu.memref_slice %arg4[%dma_wait3A_790, %dma_wait3A_791] : memref<64x1024xf32, #tpu.memory_space<vmem>> -> memref<32x1024xf32, #tpu.memory_space<vmem>>
      %dma_wait3A_793 = arith.constant 0 : i32
      %dma_wait3A_794 = tpu.memref_slice %arg2[%mul3A_2, %dma_wait3A_793] : memref<8192x1024xf32, #tpu.memory_space<hbm>> -> memref<32x1024xf32, #tpu.memory_space<hbm>>
      %dma_wait3A_795 = arith.constant 0 : i32
      %dma_wait3A_796 = arith.constant 0 : i32
      %dma_wait3A_797 = tpu.memref_slice %arg4[%dma_wait3A_795, %dma_wait3A_796] : memref<64x1024xf32, #tpu.memory_space<vmem>> -> memref<32x1024xf32, #tpu.memory_space<vmem>>
      %dma_wait3A_798 = arith.constant 0 : i32
      %dma_wait3A_799 = tpu.memref_slice %arg2[%mul3A_2, %dma_wait3A_798] : memref<8192x1024xf32, #tpu.memory_space<hbm>> -> memref<32x1024xf32, #tpu.memory_space<hbm>>
      tpu.wait_dma2 semaphore(%arg17 : memref<!tpu.dma_semaphore, #tpu.memory_space<semaphore_mem>>) src(%dma_wait3A_799 : memref<32x1024xf32, #tpu.memory_space<hbm>>) dst(%dma_wait3A_797 : memref<32x1024xf32, #tpu.memory_space<vmem>>)
      %lt3A_800 = arith.constant 32 : i32
      %lt3A_801 = arith.cmpi slt, %add3A_789, %lt3A_800 : i32
      %convert_element_type3A_802 = arith.extui %lt3A_801 : i1 to i32
      %cond3A_803 = arith.constant 0 : i32
      %cond3A_804 = arith.cmpi ne, %convert_element_type3A_802, %cond3A_803 : i32
      scf.if %cond3A_804 {
        %mul3A_862 = arith.constant 8 : i32
        %mul3A_863 = arith.muli %add3A_789, %mul3A_862 : i32
        %add3A_864 = arith.addi %mul3A_2, %mul3A_863 : i32
        %dma_start3A_865 = arith.constant 32 : i32
        %dma_start3A_866 = arith.constant 0 : i32
        %dma_start3A_867 = tpu.memref_slice %arg4[%dma_start3A_865, %dma_start3A_866] : memref<64x1024xf32, #tpu.memory_space<vmem>> -> memref<8x1024xf32, #tpu.memory_space<vmem>>
        %dma_start3A_868 = arith.constant 0 : i32
        %dma_start3A_869 = tpu.memref_slice %arg2[%add3A_864, %dma_start3A_868] : memref<8192x1024xf32, #tpu.memory_space<hbm>> -> memref<8x1024xf32, #tpu.memory_space<hbm>>
        %dma_start3A_870 = arith.constant 32 : i32
        %dma_start3A_871 = arith.constant 0 : i32
        %dma_start3A_872 = tpu.memref_slice %arg4[%dma_start3A_870, %dma_start3A_871] : memref<64x1024xf32, #tpu.memory_space<vmem>> -> memref<8x1024xf32, #tpu.memory_space<vmem>>
        %dma_start3A_873 = arith.constant 0 : i32
        %dma_start3A_874 = tpu.memref_slice %arg2[%add3A_864, %dma_start3A_873] : memref<8192x1024xf32, #tpu.memory_space<hbm>> -> memref<8x1024xf32, #tpu.memory_space<hbm>>
        tpu.enqueue_dma source(%dma_start3A_874 : memref<8x1024xf32, #tpu.memory_space<hbm>>) target(%dma_start3A_872 : memref<8x1024xf32, #tpu.memory_space<vmem>>) target_semaphore(%arg9 : memref<!tpu.dma_semaphore, #tpu.memory_space<semaphore_mem>>)
      } else {
      }
      %add3A_805 = arith.constant 8 : i32
      %add3A_806 = arith.addi %mul3A_105, %add3A_805 : i32
      %add3A_807 = arith.constant 5 : i32
      %add3A_808 = arith.addi %add3A_806, %add3A_807 : i32
      %dma_wait3A_809 = arith.constant 0 : i32
      %dma_wait3A_810 = arith.constant 0 : i32
      %dma_wait3A_811 = tpu.memref_slice %arg4[%dma_wait3A_809, %dma_wait3A_810] : memref<64x1024xf32, #tpu.memory_space<vmem>> -> memref<32x1024xf32, #tpu.memory_space<vmem>>
      %dma_wait3A_812 = arith.constant 0 : i32
      %dma_wait3A_813 = tpu.memref_slice %arg2[%mul3A_2, %dma_wait3A_812] : memref<8192x1024xf32, #tpu.memory_space<hbm>> -> memref<32x1024xf32, #tpu.memory_space<hbm>>
      %dma_wait3A_814 = arith.constant 0 : i32
      %dma_wait3A_815 = arith.constant 0 : i32
      %dma_wait3A_816 = tpu.memref_slice %arg4[%dma_wait3A_814, %dma_wait3A_815] : memref<64x1024xf32, #tpu.memory_space<vmem>> -> memref<32x1024xf32, #tpu.memory_space<vmem>>
      %dma_wait3A_817 = arith.constant 0 : i32
      %dma_wait3A_818 = tpu.memref_slice %arg2[%mul3A_2, %dma_wait3A_817] : memref<8192x1024xf32, #tpu.memory_space<hbm>> -> memref<32x1024xf32, #tpu.memory_space<hbm>>
      tpu.wait_dma2 semaphore(%arg18 : memref<!tpu.dma_semaphore, #tpu.memory_space<semaphore_mem>>) src(%dma_wait3A_818 : memref<32x1024xf32, #tpu.memory_space<hbm>>) dst(%dma_wait3A_816 : memref<32x1024xf32, #tpu.memory_space<vmem>>)
      %lt3A_819 = arith.constant 32 : i32
      %lt3A_820 = arith.cmpi slt, %add3A_808, %lt3A_819 : i32
      %convert_element_type3A_821 = arith.extui %lt3A_820 : i1 to i32
      %cond3A_822 = arith.constant 0 : i32
      %cond3A_823 = arith.cmpi ne, %convert_element_type3A_821, %cond3A_822 : i32
      scf.if %cond3A_823 {
        %mul3A_862 = arith.constant 8 : i32
        %mul3A_863 = arith.muli %add3A_808, %mul3A_862 : i32
        %add3A_864 = arith.addi %mul3A_2, %mul3A_863 : i32
        %dma_start3A_865 = arith.constant 40 : i32
        %dma_start3A_866 = arith.constant 0 : i32
        %dma_start3A_867 = tpu.memref_slice %arg4[%dma_start3A_865, %dma_start3A_866] : memref<64x1024xf32, #tpu.memory_space<vmem>> -> memref<8x1024xf32, #tpu.memory_space<vmem>>
        %dma_start3A_868 = arith.constant 0 : i32
        %dma_start3A_869 = tpu.memref_slice %arg2[%add3A_864, %dma_start3A_868] : memref<8192x1024xf32, #tpu.memory_space<hbm>> -> memref<8x1024xf32, #tpu.memory_space<hbm>>
        %dma_start3A_870 = arith.constant 40 : i32
        %dma_start3A_871 = arith.constant 0 : i32
        %dma_start3A_872 = tpu.memref_slice %arg4[%dma_start3A_870, %dma_start3A_871] : memref<64x1024xf32, #tpu.memory_space<vmem>> -> memref<8x1024xf32, #tpu.memory_space<vmem>>
        %dma_start3A_873 = arith.constant 0 : i32
        %dma_start3A_874 = tpu.memref_slice %arg2[%add3A_864, %dma_start3A_873] : memref<8192x1024xf32, #tpu.memory_space<hbm>> -> memref<8x1024xf32, #tpu.memory_space<hbm>>
        tpu.enqueue_dma source(%dma_start3A_874 : memref<8x1024xf32, #tpu.memory_space<hbm>>) target(%dma_start3A_872 : memref<8x1024xf32, #tpu.memory_space<vmem>>) target_semaphore(%arg10 : memref<!tpu.dma_semaphore, #tpu.memory_space<semaphore_mem>>)
      } else {
      }
      %add3A_824 = arith.constant 8 : i32
      %add3A_825 = arith.addi %mul3A_105, %add3A_824 : i32
      %add3A_826 = arith.constant 6 : i32
      %add3A_827 = arith.addi %add3A_825, %add3A_826 : i32
      %dma_wait3A_828 = arith.constant 0 : i32
      %dma_wait3A_829 = arith.constant 0 : i32
      %dma_wait3A_830 = tpu.memref_slice %arg4[%dma_wait3A_828, %dma_wait3A_829] : memref<64x1024xf32, #tpu.memory_space<vmem>> -> memref<32x1024xf32, #tpu.memory_space<vmem>>
      %dma_wait3A_831 = arith.constant 0 : i32
      %dma_wait3A_832 = tpu.memref_slice %arg2[%mul3A_2, %dma_wait3A_831] : memref<8192x1024xf32, #tpu.memory_space<hbm>> -> memref<32x1024xf32, #tpu.memory_space<hbm>>
      %dma_wait3A_833 = arith.constant 0 : i32
      %dma_wait3A_834 = arith.constant 0 : i32
      %dma_wait3A_835 = tpu.memref_slice %arg4[%dma_wait3A_833, %dma_wait3A_834] : memref<64x1024xf32, #tpu.memory_space<vmem>> -> memref<32x1024xf32, #tpu.memory_space<vmem>>
      %dma_wait3A_836 = arith.constant 0 : i32
      %dma_wait3A_837 = tpu.memref_slice %arg2[%mul3A_2, %dma_wait3A_836] : memref<8192x1024xf32, #tpu.memory_space<hbm>> -> memref<32x1024xf32, #tpu.memory_space<hbm>>
      tpu.wait_dma2 semaphore(%arg19 : memref<!tpu.dma_semaphore, #tpu.memory_space<semaphore_mem>>) src(%dma_wait3A_837 : memref<32x1024xf32, #tpu.memory_space<hbm>>) dst(%dma_wait3A_835 : memref<32x1024xf32, #tpu.memory_space<vmem>>)
      %lt3A_838 = arith.constant 32 : i32
      %lt3A_839 = arith.cmpi slt, %add3A_827, %lt3A_838 : i32
      %convert_element_type3A_840 = arith.extui %lt3A_839 : i1 to i32
      %cond3A_841 = arith.constant 0 : i32
      %cond3A_842 = arith.cmpi ne, %convert_element_type3A_840, %cond3A_841 : i32
      scf.if %cond3A_842 {
        %mul3A_862 = arith.constant 8 : i32
        %mul3A_863 = arith.muli %add3A_827, %mul3A_862 : i32
        %add3A_864 = arith.addi %mul3A_2, %mul3A_863 : i32
        %dma_start3A_865 = arith.constant 48 : i32
        %dma_start3A_866 = arith.constant 0 : i32
        %dma_start3A_867 = tpu.memref_slice %arg4[%dma_start3A_865, %dma_start3A_866] : memref<64x1024xf32, #tpu.memory_space<vmem>> -> memref<8x1024xf32, #tpu.memory_space<vmem>>
        %dma_start3A_868 = arith.constant 0 : i32
        %dma_start3A_869 = tpu.memref_slice %arg2[%add3A_864, %dma_start3A_868] : memref<8192x1024xf32, #tpu.memory_space<hbm>> -> memref<8x1024xf32, #tpu.memory_space<hbm>>
        %dma_start3A_870 = arith.constant 48 : i32
        %dma_start3A_871 = arith.constant 0 : i32
        %dma_start3A_872 = tpu.memref_slice %arg4[%dma_start3A_870, %dma_start3A_871] : memref<64x1024xf32, #tpu.memory_space<vmem>> -> memref<8x1024xf32, #tpu.memory_space<vmem>>
        %dma_start3A_873 = arith.constant 0 : i32
        %dma_start3A_874 = tpu.memref_slice %arg2[%add3A_864, %dma_start3A_873] : memref<8192x1024xf32, #tpu.memory_space<hbm>> -> memref<8x1024xf32, #tpu.memory_space<hbm>>
        tpu.enqueue_dma source(%dma_start3A_874 : memref<8x1024xf32, #tpu.memory_space<hbm>>) target(%dma_start3A_872 : memref<8x1024xf32, #tpu.memory_space<vmem>>) target_semaphore(%arg11 : memref<!tpu.dma_semaphore, #tpu.memory_space<semaphore_mem>>)
      } else {
      }
      %add3A_843 = arith.constant 8 : i32
      %add3A_844 = arith.addi %mul3A_105, %add3A_843 : i32
      %add3A_845 = arith.constant 7 : i32
      %add3A_846 = arith.addi %add3A_844, %add3A_845 : i32
      %dma_wait3A_847 = arith.constant 0 : i32
      %dma_wait3A_848 = arith.constant 0 : i32
      %dma_wait3A_849 = tpu.memref_slice %arg4[%dma_wait3A_847, %dma_wait3A_848] : memref<64x1024xf32, #tpu.memory_space<vmem>> -> memref<32x1024xf32, #tpu.memory_space<vmem>>
      %dma_wait3A_850 = arith.constant 0 : i32
      %dma_wait3A_851 = tpu.memref_slice %arg2[%mul3A_2, %dma_wait3A_850] : memref<8192x1024xf32, #tpu.memory_space<hbm>> -> memref<32x1024xf32, #tpu.memory_space<hbm>>
      %dma_wait3A_852 = arith.constant 0 : i32
      %dma_wait3A_853 = arith.constant 0 : i32
      %dma_wait3A_854 = tpu.memref_slice %arg4[%dma_wait3A_852, %dma_wait3A_853] : memref<64x1024xf32, #tpu.memory_space<vmem>> -> memref<32x1024xf32, #tpu.memory_space<vmem>>
      %dma_wait3A_855 = arith.constant 0 : i32
      %dma_wait3A_856 = tpu.memref_slice %arg2[%mul3A_2, %dma_wait3A_855] : memref<8192x1024xf32, #tpu.memory_space<hbm>> -> memref<32x1024xf32, #tpu.memory_space<hbm>>
      tpu.wait_dma2 semaphore(%arg20 : memref<!tpu.dma_semaphore, #tpu.memory_space<semaphore_mem>>) src(%dma_wait3A_856 : memref<32x1024xf32, #tpu.memory_space<hbm>>) dst(%dma_wait3A_854 : memref<32x1024xf32, #tpu.memory_space<vmem>>)
      %lt3A_857 = arith.constant 32 : i32
      %lt3A_858 = arith.cmpi slt, %add3A_846, %lt3A_857 : i32
      %convert_element_type3A_859 = arith.extui %lt3A_858 : i1 to i32
      %cond3A_860 = arith.constant 0 : i32
      %cond3A_861 = arith.cmpi ne, %convert_element_type3A_859, %cond3A_860 : i32
      scf.if %cond3A_861 {
        %mul3A_862 = arith.constant 8 : i32
        %mul3A_863 = arith.muli %add3A_846, %mul3A_862 : i32
        %add3A_864 = arith.addi %mul3A_2, %mul3A_863 : i32
        %dma_start3A_865 = arith.constant 56 : i32
        %dma_start3A_866 = arith.constant 0 : i32
        %dma_start3A_867 = tpu.memref_slice %arg4[%dma_start3A_865, %dma_start3A_866] : memref<64x1024xf32, #tpu.memory_space<vmem>> -> memref<8x1024xf32, #tpu.memory_space<vmem>>
        %dma_start3A_868 = arith.constant 0 : i32
        %dma_start3A_869 = tpu.memref_slice %arg2[%add3A_864, %dma_start3A_868] : memref<8192x1024xf32, #tpu.memory_space<hbm>> -> memref<8x1024xf32, #tpu.memory_space<hbm>>
        %dma_start3A_870 = arith.constant 56 : i32
        %dma_start3A_871 = arith.constant 0 : i32
        %dma_start3A_872 = tpu.memref_slice %arg4[%dma_start3A_870, %dma_start3A_871] : memref<64x1024xf32, #tpu.memory_space<vmem>> -> memref<8x1024xf32, #tpu.memory_space<vmem>>
        %dma_start3A_873 = arith.constant 0 : i32
        %dma_start3A_874 = tpu.memref_slice %arg2[%add3A_864, %dma_start3A_873] : memref<8192x1024xf32, #tpu.memory_space<hbm>> -> memref<8x1024xf32, #tpu.memory_space<hbm>>
        tpu.enqueue_dma source(%dma_start3A_874 : memref<8x1024xf32, #tpu.memory_space<hbm>>) target(%dma_start3A_872 : memref<8x1024xf32, #tpu.memory_space<vmem>>) target_semaphore(%arg12 : memref<!tpu.dma_semaphore, #tpu.memory_space<semaphore_mem>>)
      } else {
      }
    }
    %scan3A_102 = arith.constant 4 : i32
    return
  }
}

</mosaic_0001>

<sc_bundles>
// kernel: kernel.3.cloned.1.call-start
scs
__scs_entry_jumppad:
0x0: {  	(pc) =	sbr.rel $0x88, $3  }
0x1: {  	(tag) =	ssettag $0x0;
	lr =	simm.s32 $0x1  }
0x2: {  	[smem:$0x3FA0] =	sst lr;
	_ =	strace $0xD0000000  }
0x3: {  	_ = 	snop  }
0x4: {  	_ = 	snop  }
0x5: {  	_ = 	snop  }
0x6: {  	_ = 	snop  }
0x7: {  	_ = 	snop  }
__scs_overlays_trampoline_lowered:
0x8: {  	[smem:$0x3FAF] =	sst s0  }
0x9: {  	[smem:$0x3FB0] =	sst s1  }
0xa: {  	[smem:$0x3FB1] =	sst s2  }
0xb: {  	[smem:$0x3FB2] =	sst s3  }
0xc: {  	[smem:$0x3FB3] =	sst s4  }
0xd: {  	[smem:$0x3FB4] =	sst s5  }
0xe: {  	[smem:$0x3FB5] =	sst s6  }
0xf: {  	[smem:$0x3FB6] =	sst s7  }
0x10: {  	[smem:$0x3FB7] =	sst s8  }
0x11: {  	[smem:$0x3FB8] =	sst s9;
	s0 =	simm.s32 @!p0 $0x0  }
0x12: {  	s1 =	sld [smem:$0x3F9E];
	s0 =	simm.s32 @p0 $0x1  }
0x13: {  	[smem:$0x3FB9] =	sst s0;
	s0 =	simm.s32 @!p1 $0x0  }
0x14: {  	s2 =	sld [smem:$0x3F9D];
	s0 =	simm.s32 @p1 $0x1  }
0x15: {  	[smem:$0x3FBA] =	sst s0;
	s0 =	simm.s32 @!p2 $0x0  }
0x16: {  	s3 =	sld [smem:$0x3FDB];
	s0 =	simm.s32 @p2 $0x1  }
0x17: {  	s4 =	simm.s32 $0x1BF5;
	[smem:$0x3FBC] =	sst s0  }
0x18: {  	s0 =	sld [smem:$0x3F9F];
	_ =	swait.ge [sflag:s4], $0x0  }
0x19: {  	s7 =	sld [smem:$0x3FA0]  }
0x1a: {  	s8 =	sadd.s32 $0xFFFFE003, lr  }
0x1b: {  	s9 =	sadd.s32 $0xFFFFFEF7, lr;
	s5 =	simm.s32 $0xFFFFFFFF;
	p2 =	slt.u32 s8, $0xFFFFF086  }
0x1c: {  	p1 =	slt.u32 s9, $0xF7A;
	s5 =	simm.s32 @!p2 $0x0  }
0x1d: {  	s5 =	simm.s32 @p1 $0x1;
	p0 =	seq.s32 s7, s2  }
0x1e: {  	s7 =	smul.u32 @!p0 $0xF7A, s2;
	p2 =	seq.s32 @!p0 s5, $0x0  }
0x1f: {  	s9 =	smul.u32 $0xF7A, s1;
	s8 =	simm.s32 @!p0 $0x1BF5;
	p2 =	por !p2, p0  }
0x20: {  	[sflag:s8] =	ssyncset.s32 @!p0 $0xFFFFF086;
	s6 =	sadd.s32 @!p0 s3, s7;
	s7 =	simm.s32 @!p0 $0x108  }
0x21: {  	s3 =	sadd.s32 s3, s9;
	s6 =	sadd.s32 @!p0 $0x88, s6;
	s7 =	simm.s32 @p2 $0x1082  }
0x22: {  	[simem:s7], [sflag:s8] =	dma.local @!p0 [hbm:s6], $0xF7A  }
0x23: {  	s9 =	sor.u32 $0xD0000000, s2;
	s6 =	simm.s32 $0x108;
	_ =	swait.ge @!p0 [sflag:s8], $0x0  }
0x24: {  	s3 =	sadd.s32 $0x88, s3;
	s6 =	simm.s32 @!p1 $0x1082;
	[sflag:s4] =	ssyncset.s32 $0xFFFFF086  }
0x25: {  	[simem:s6], [sflag:s4] =	dma.local [hbm:s3], $0xF7A  }
0x26: {  	[smem:$0x3FA0] =	sst s1;
	(tag) =	ssettag s2;
	_ =	strace s9  }
0x27: {  	s1 =	sld [smem:$0x3FB0]  }
0x28: {  	s2 =	sld [smem:$0x3FB1]  }
0x29: {  	s4 =	sld [smem:$0x3FB3]  }
0x2a: {  	p0 =	seq.s32 s5, $0x0;
	s5 =	sld [smem:$0x3FB4]  }
0x2b: {  	s6 =	sld [smem:$0x3FB5]  }
0x2c: {  	s7 =	sld [smem:$0x3FB6]  }
0x2d: {  	s3 =	simm.s32 $0x108;
	s8 =	sld [smem:$0x3FB7]  }
0x2e: {  	s3 =	simm.s32 @!p0 $0x1082;
	s9 =	sld [smem:$0x3FB8]  }
0x2f: {  	lr =	sadd.s32 s0, s3;
	s0 =	sld [smem:$0x3FAF]  }
0x30: {  	s3 =	sld [smem:$0x3FB2]  }
0x31: {  	[smem:$0x3FBB] =	sst s10  }
0x32: {  	s10 =	sld [smem:$0x3FB9];
	_ =	sdelay $0x3  }
0x33: {  	p0 =	seq.s32 s10, $0x1;
	s10 =	sld [smem:$0x3FBB];
	_ =	sdelay $0x3  }
0x34: {  	[smem:$0x3FBB] =	sst s10  }
0x35: {  	s10 =	sld [smem:$0x3FBA];
	_ =	sdelay $0x3  }
0x36: {  	p1 =	seq.s32 s10, $0x1;
	s10 =	sld [smem:$0x3FBB];
	_ =	sdelay $0x3  }
0x37: {  	[smem:$0x3FBB] =	sst s10  }
0x38: {  	s10 =	sld [smem:$0x3FBC]  }
0x39: {  	_ = 	snop;
	(pc) =	sbr.ind lr, $3  }
0x3a: {  	_ = 	snop  }
0x3b: {  	_ = 	snop  }
0x3c: {  	p2 =	seq.s32 s10, $0x1;
	s10 =	sld [smem:$0x3FBB]  }
0x3d: {  	_ =	shalt  }
0x3e: {  	_ =	shalt  }
0x3f: {  	_ =	shalt  }
0x40: {  	_ =	shalt  }
0x41: {  	_ =	shalt  }
0x42: {  	_ =	shalt  }
0x43: {  	_ =	shalt  }
0x44: {  	_ =	shalt  }
0x45: {  	_ =	shalt  }
0x46: {  	_ =	shalt  }
0x47: {  	_ =	shalt  }
0x48: {  	_ =	shalt  }
0x49: {  	_ =	shalt  }
0x4a: {  	_ =	shalt  }
0x4b: {  	_ =	shalt  }
0x4c: {  	_ =	shalt  }
0x4d: {  	_ =	shalt  }
0x4e: {  	_ =	shalt  }
0x4f: {  	_ =	shalt  }
0x50: {  	_ =	shalt  }
0x51: {  	_ =	shalt  }
0x52: {  	_ =	shalt  }
0x53: {  	_ =	shalt  }
0x54: {  	_ =	shalt  }
0x55: {  	_ =	shalt  }
0x56: {  	_ =	shalt  }
0x57: {  	_ =	shalt  }
0x58: {  	_ =	shalt  }
0x59: {  	_ =	shalt  }
0x5a: {  	_ =	shalt  }
0x5b: {  	_ =	shalt  }
0x5c: {  	_ =	shalt  }
0x5d: {  	_ =	shalt  }
0x5e: {  	_ =	shalt  }
0x5f: {  	_ =	shalt  }
0x60: {  	_ =	shalt  }
0x61: {  	_ =	shalt  }
0x62: {  	_ =	shalt  }
0x63: {  	_ =	shalt  }
0x64: {  	_ =	shalt  }
0x65: {  	_ =	shalt  }
0x66: {  	_ =	shalt  }
0x67: {  	_ =	shalt  }
0x68: {  	_ =	shalt  }
0x69: {  	_ =	shalt  }
0x6a: {  	_ =	shalt  }
0x6b: {  	_ =	shalt  }
0x6c: {  	_ =	shalt  }
0x6d: {  	_ =	shalt  }
0x6e: {  	_ =	shalt  }
0x6f: {  	_ =	shalt  }
0x70: {  	_ =	shalt  }
0x71: {  	_ =	shalt  }
0x72: {  	_ =	shalt  }
0x73: {  	_ =	shalt  }
0x74: {  	_ =	shalt  }
0x75: {  	_ =	shalt  }
0x76: {  	_ =	shalt  }
0x77: {  	_ =	shalt  }
0x78: {  	_ =	shalt  }
0x79: {  	_ =	shalt  }
0x7a: {  	_ =	shalt  }
0x7b: {  	_ =	shalt  }
0x7c: {  	_ =	shalt  }
0x7d: {  	_ =	shalt  }
0x7e: {  	_ =	shalt  }
0x7f: {  	_ =	shalt  }
0x80: {  	_ =	shalt  }
0x81: {  	_ =	shalt  }
0x82: {  	_ =	shalt  }
0x83: {  	_ =	shalt  }
0x84: {  	_ =	shalt  }
0x85: {  	_ =	shalt  }
0x86: {  	_ =	shalt  }
0x87: {  	_ =	shalt  }
.Lfunc_end0:
.L_simem_size_0:
called_computation_lowered:
.L_overlay_start_0:
0x88: {  	s2 =	sld [smem:$0x3FD9]  }
0x89: {  	s3 =	sld [smem:$0x3FFE];
	_ =	sdelay $0x1  }
0x8a: {  	s1 =	srdreg.scid  }
0x8b: {  	s0 =	sand.u32 $0x1, s1  }
0x8c: {  	s18 =	sshll.u32 s0, $0xA;
	s2 =	sadd.s32 s3, s2  }
0x8d: {  	s2 =	sadd.s32 s2, s18  }
0x8e: {  	[smem:$0x3FC7] =	sst s2  }
0x8f: {  	_ = 	snop  }
0x90: {  	s2 =	sld [smem:$0x3FC9]  }
0x91: {  	s19 =	sld [smem:$0x3FD0];
	(tm) =	ssettm $0x1  }
0x92: {  	s4 =	sld [smem:$0x3FFB];
	_ =	sdelay $0x3  }
0x93: {  	_ =	strace s4  }
0x94: {  	s4 =	sld [smem:$0x3FFC];
	_ =	sdelay $0x3  }
0x95: {  	_ =	strace s4  }
0x96: {  	s4 =	sld [smem:$0x3FFD];
	_ =	sdelay $0x3  }
0x97: {  	_ =	strace s4  }
0x98: {  	_ =	strace $0x8FFFFFFF  }
0x99: {  	s20 =	sld [smem:$0x3FDB];
	_ =	sdelay $0x1  }
0x9a: {  	s5 =	simm.s32 $_scs_section_size  }
0x9b: {  	s6 =	simm.s32 $_size__tile_overlayer_lowered;
	s7 =	simm.s32 $_tile_overlayer_lowered  }
0x9c: {  	s23 =	simm.s32 $0x1BFF;
	s22 =	sshll.u32 s7, $0x1;
	s4 =	sadd.s32 s5, s20  }
0x9d: {  	s8 =	simm.s32 $0x0;
	s21 =	sshll.u32 s6, $0x1;
	s6 =	sadd.s32 s22, s4  }
0x9e: {  	[timem:s8], [sflag:s23] =	dma.local [hbm:s6], s21  }
0x9f: {  	_ =	swait.ge [sflag:s23], s21  }
0xa0: {  	s5 =	ssub.s32 $0x0, s21;
	[sflag:s23] =	ssyncset.done $0x0  }
0xa1: {  	[sflag:s23] =	ssyncadd.s32 s5;
	_ =	sdelay $0x1  }
0xa2: {  	s24 =	simm.s32 $0x1B8B  }
0xa3: {  	_ =	swait.ge [sflag:s24], $0x1  }
0xa4: {  	[sflag:s24] =	ssyncset.done $0x0  }
0xa5: {  	s25 =	simm.s32 $0x1B8E;
	[sflag:s24] =	ssyncadd.s32 $0xFFFFFFFF  }
0xa6: {  	s26 =	simm.s32 $execute0_lowered;
	[smem:$0x3FD2] =	sst s25  }
0xa7: {  	s5 =	sshll.u32 s26, $0x1;
	_ =	strace $0x80000046;
	[dreg:$0x1] =	wrdreg $0xFFFFFFFF  }
0xa8: {  	s28 =	simm.s32 $_size_execute0_lowered;
	s4 =	sadd.s32 s4, s5;
	[dreg:$0x0] =	wrdreg $0x0  }
0xa9: {  	s5 =	sshll.u32 s28, $0x1;
	[dreg:$0x2] =	wrdreg s4  }
0xaa: {  	[dreg:$0x3] =	wrdreg s5  }
0xab: {  	[dreg:$0x4] =	wrdreg $0xC0  }
0xac: {  	_ =	task [dreg:s8], $0x5FFFF  }
0xad: {  	[dreg:$0x1] =	wrdreg $0xFFFFFFFF  }
0xae: {  	[dreg:$0x0] =	wrdreg $0x60  }
0xaf: {  	[dreg:$0x2] =	wrdreg s2  }
0xb0: {  	[dreg:$0x3] =	wrdreg s19  }
0xb1: {  	[dreg:$0x4] =	wrdreg $0x9  }
0xb2: {  	_ =	task.clear_ibuf [dreg:s8], $0x5FFFF;
	_ =	strace $0x90000046  }
0xb3: {  	s29 =	simm.s32 $0x9;
	_ =	strace $0x80000048  }
0xb4: {  	_ =	swait.ge [sflag:s29], $0x1  }
0xb5: {  	[sflag:s29] =	ssyncadd.s32 $0xFFFFFFFF  }
0xb6: {  	_ =	strace $0x90000048  }
0xb7: {  	_ =	sfence  }
0xb8: {  	s30 =	sld [smem:$0x0];
	_ =	sdelay $0x2  }
0xb9: {  	s31 =	sshll.u32 s1, $0xD;
	s1 =	sshrl.u32 s1, $0x2  }
0xba: {  	s3 =	sand.u32 $0x4000, s31;
	s1 =	sadd.s32 s1, s30  }
0xbb: {  	s0 =	sor.u32 s3, s0;
	s1 =	sshll.u32 s1, $0x11  }
0xbc: {  	s0 =	sor.u32 s1, s0  }
0xbd: {  	s0 =	sadd.s32 $0x8F2B, s0  }
0xbe: {  	[sflag:s0] =	ssyncadd.remote.s32 $0x1  }
0xbf: {  	_ =	sfence.sel $0xFFFF  }
0xc0: {  	[dreg:$0x0] =	wrdreg $0xFFFFFFFF;
	(pc) =	sbr.abs _section_cstart, $3  }
0xc1: {  	[dreg:$0x1] =	wrdreg $0xFFFFFFFF  }
0xc2: {  	_ =	task.clear_ibuf [dreg:s8], $0x2FFFF;
	_ =	strace $0x9FFFFFFF  }
0xc3: {  	(tm) =	ssettm $0x7FFFFFFF  }
tec
execute0_lowered:
.L_overlay_start_1:
0x0: {  	(tag) =	ssettag $0x1  }
0x1: {  	s0 =	rddreg [dreg:$0x0]  }
0x2: {  	s2 =	rddreg [dreg:$0x1]  }
0x3: {  	s1 =	srdreg.scid;
	s5 =	stileid.u32;
	s3 =	simm.s32 $0x0  }
0x4: {  	s28 =	simm.s32 $0xC000;
	s29 =	simm.s32 $0xE000;
	s31 =	simm.s32 $0x2  }
0x5: {  	s8 =	simm.s32 $0x7;
	s9 =	simm.s32 $0x8;
	s1 =	sand.u32 $0x1, s1  }
0x6: {  	s10 =	simm.s32 $0x9;
	s5 =	sshll.u32 s5, $0xF;
	s4 =	sshll.u32 s1, $0x13  }
0x7: {  	s11 =	simm.s32 $0xA;
	[smem:$0x7FF] =	sst s3;
	s7 =	sor.u32 s5, s4  }
0x8: {  	_ =	strace $0x80000047;
	[dreg:$0x3] =	wrdreg s7;
	s7 =	sadd.s32 s7, s0  }
0x9: {  	s13 =	sadd.s32 $0x100000, s2;
	s16 =	sadd.s32 $0x400, s7;
	[dreg:$0x4] =	wrdreg s7  }
0xa: {  	s14 =	sadd.s32 $0x200000, s2;
	s17 =	sadd.s32 $0x800, s7;
	[dreg:$0x5] =	wrdreg s16  }
0xb: {  	s15 =	sadd.s32 $0x300000, s2;
	s18 =	sadd.s32 $0xC00, s7;
	[dreg:$0x6] =	wrdreg s17  }
0xc: {  	s1 =	ssub.s32 $0x2, s1;
	s19 =	sadd.s32 $0x1000, s7;
	[dreg:$0x7] =	wrdreg s18  }
0xd: {  	s6 =	sshrl.u32 s1, $0x1;
	s20 =	sadd.s32 $0x1400, s7;
	[dreg:$0x8] =	wrdreg s19  }
0xe: {  	s25 =	sadd.s32 s4, s2;
	s21 =	sadd.s32 $0x1800, s7;
	[dreg:$0x9] =	wrdreg s20  }
0xf: {  	s12 =	ssub.s32 s1, s6;
	s22 =	sadd.s32 $0x1C00, s7;
	[dreg:$0xa] =	wrdreg s21  }
0x10: {  	s4 =	simm.s32 $0xD;
	s0 =	smax.u32 s12, $0x1;
	[dreg:$0xb] =	wrdreg s22  }
0x11: {  	s1 =	simm.s32 $0x4;
	s23 =	sadd.s32 $0x3800, s7;
	[dreg:$0xc] =	wrdreg s0  }
0x12: {  	s6 =	simm.s32 $0x5;
	s24 =	sadd.s32 $0x3000, s7;
	[dreg:$0xd] =	wrdreg s23  }
0x13: {  	s26 =	sadd.s32 $0x2800, s7;
	s30 =	sadd.s32 $0x2000, s7;
	[dreg:$0xe] =	wrdreg s24  }
0x14: {  	s7 =	simm.s32 $0x6;
	s12 =	simm.s32 $0xB;
	[dreg:$0xf] =	wrdreg s26  }
.Ltmp0:
0x15: {  	[dreg:$0x10] =	wrdreg s30;
	s0 =	sadd.s32 s5, s25;
	(pc) =	sbr.rel .LBB2_1-.Ltmp0, $4  }
0x16: {  	s22 =	simm.s32 $0x2000;
	s23 =	simm.s32 $0x4000;
	s24 =	simm.s32 $0x6000  }
0x17: {  	s25 =	simm.s32 $0x8000;
	s26 =	simm.s32 $0xA000;
	s16 =	simm.s32 $0xC  }
0x18: {  	s5 =	simm.s32 $0xE;
	s17 =	simm.s32 $0xF;
	s18 =	simm.s32 $0x10  }
0x19: {  	s20 =	simm.s32 $0x0;
	[dreg:$0x11] =	wrdreg s0;
	s0 =	simm.s32 $0x3  }
.LBB2_4:
0x1a: {  	_ =	swait.ge [sflag:s11], $0x8000  }
0x1b: {  	[sflag:s11] =	ssyncset.done $0x0  }
0x1c: {  	[sflag:s11] =	ssyncadd.s32 $0xFFFF8000  }
0x1d: {  	_ =	swait.ge [sflag:s12], $0x8000  }
0x1e: {  	[sflag:s12] =	ssyncset.done $0x0  }
0x1f: {  	[sflag:s12] =	ssyncadd.s32 $0xFFFF8000  }
0x20: {  	_ =	swait.ge [sflag:s16], $0x8000  }
0x21: {  	[sflag:s16] =	ssyncset.done $0x0  }
0x22: {  	[sflag:s16] =	ssyncadd.s32 $0xFFFF8000  }
0x23: {  	_ =	swait.ge [sflag:s4], $0x8000  }
0x24: {  	[sflag:s4] =	ssyncset.done $0x0  }
0x25: {  	[sflag:s4] =	ssyncadd.s32 $0xFFFF8000  }
0x26: {  	_ =	swait.ge [sflag:s5], $0x8000  }
0x27: {  	[sflag:s5] =	ssyncset.done $0x0  }
0x28: {  	[sflag:s5] =	ssyncadd.s32 $0xFFFF8000  }
0x29: {  	_ =	swait.ge [sflag:s17], $0x8000  }
0x2a: {  	[sflag:s17] =	ssyncset.done $0x0  }
0x2b: {  	[sflag:s17] =	ssyncadd.s32 $0xFFFF8000  }
0x2c: {  	_ =	swait.ge [sflag:s18], $0x8000  }
0x2d: {  	s20 =	rddreg [dreg:$0x12]  }
0x2e: {  	s19 =	rddreg [dreg:$0xc];
	s20 =	sadd.s32 $0x1, s20  }
0x2f: {  	p0 =	sne.s32 s20, s19  }
.Ltmp1:
0x30: {  	_ = 	snop;
	(pc) =	sbr.rel @!p0 .LBB2_5-.Ltmp1, $3  }
0x31: {  	_ =	sdelay $0x1  }
0x32: {  	[sflag:s18] =	ssyncset.done $0x0  }
0x33: {  	[sflag:s18] =	ssyncadd.s32 $0xFFFF8000  }
.LBB2_1:
0x34: {  	[dreg:$0x12] =	wrdreg s20  }
0x35: {  	s19 =	rddreg [dreg:$0x4]  }
0x36: {  	[tilespmem:s3], [sflag:$0x1] =	stream.linear.gather [hbm4b:s19+s3], $0x2000, $0x38;
	[tilespmem:$0x10000] =	vst v63  }
0x37: {  	s30 =	rddreg [dreg:$0x5]  }
0x38: {  	[tilespmem:s22], [sflag:$0x2] =	stream.linear.gather [hbm4b:s30+s3], $0x2000, $0x38;
	[tilespmem:$0x10000] =	vst v63  }
0x39: {  	s20 =	rddreg [dreg:$0x6]  }
0x3a: {  	[tilespmem:s23], [sflag:$0x3] =	stream.linear.gather [hbm4b:s20+s3], $0x2000, $0x38;
	[tilespmem:$0x10000] =	vst v63  }
0x3b: {  	s21 =	rddreg [dreg:$0x7]  }
0x3c: {  	[tilespmem:s24], [sflag:$0x4] =	stream.linear.gather [hbm4b:s21+s3], $0x2000, $0x38;
	[tilespmem:$0x10000] =	vst v63  }
0x3d: {  	s30 =	rddreg [dreg:$0x8]  }
0x3e: {  	[tilespmem:s25], [sflag:$0x5] =	stream.linear.gather [hbm4b:s30+s3], $0x2000, $0x38;
	[tilespmem:$0x10000] =	vst v63  }
0x3f: {  	s20 =	rddreg [dreg:$0x9]  }
0x40: {  	[tilespmem:s26], [sflag:$0x6] =	stream.linear.gather [hbm4b:s20+s3], $0x2000, $0x38;
	[tilespmem:$0x10000] =	vst v63  }
0x41: {  	s21 =	rddreg [dreg:$0xa]  }
0x42: {  	[tilespmem:s28], [sflag:$0x7] =	stream.linear.gather [hbm4b:s21+s3], $0x2000, $0x38;
	[tilespmem:$0x10000] =	vst v63  }
0x43: {  	s19 =	simm.s32 $0x0;
	s30 =	rddreg [dreg:$0xb]  }
0x44: {  	[tilespmem:s29], [sflag:$0x8] =	stream.linear.gather [hbm4b:s30+s3], $0x2000, $0x38;
	[tilespmem:$0x10000] =	vst v63  }
.LBB2_2:
0x45: {  	s20 =	simm.s32 $0x1  }
0x46: {  	_ =	swait.ge [sflag:s20], $0x2000  }
0x47: {  	[sflag:s20] =	ssyncset.done $0x0;
	s21 =	rddreg [dreg:$0x11]  }
0x48: {  	[sflag:s20] =	ssyncadd.s32 $0xFFFFE000;
	s20 =	sadd.s32 s19, s21  }
0x49: {  	[hbm4b:s20+s3] =	stream.linear.scatter [tilespmem:s3], [sflag:$0x9], $0x2000, $0x38;
	[tilespmem:$0x10000] =	vst v63  }
0x4a: {  	s21 =	sadd.s32 $0x100000, s20  }
0x4b: {  	[hbm4b:s21+s3] =	stream.linear.scatter [tilespmem:s3], [sflag:$0x9], $0x2000, $0x38;
	[tilespmem:$0x10000] =	vst v63  }
0x4c: {  	s30 =	sadd.s32 $0x200000, s20  }
0x4d: {  	[hbm4b:s30+s3] =	stream.linear.scatter [tilespmem:s3], [sflag:$0x9], $0x2000, $0x38;
	[tilespmem:$0x10000] =	vst v63  }
0x4e: {  	s20 =	sadd.s32 $0x300000, s20  }
0x4f: {  	[hbm4b:s20+s3] =	stream.linear.scatter [tilespmem:s3], [sflag:$0x9], $0x2000, $0x38;
	[tilespmem:$0x10000] =	vst v63  }
0x50: {  	_ =	swait.ge [sflag:s31], $0x2000  }
0x51: {  	s21 =	rddreg [dreg:$0x3]  }
0x52: {  	s20 =	sor.u32 s21, s19  }
0x53: {  	[sflag:s31] =	ssyncset.done $0x0;
	s21 =	sor.u32 $0x400, s20  }
0x54: {  	[sflag:s31] =	ssyncadd.s32 $0xFFFFE000;
	s30 =	sadd.s32 s2, s21  }
0x55: {  	[hbm4b:s30+s3] =	stream.linear.scatter [tilespmem:s22], [sflag:$0xA], $0x2000, $0x38;
	[tilespmem:$0x10000] =	vst v63  }
0x56: {  	s30 =	sadd.s32 s21, s13  }
0x57: {  	[hbm4b:s30+s3] =	stream.linear.scatter [tilespmem:s22], [sflag:$0xA], $0x2000, $0x38;
	[tilespmem:$0x10000] =	vst v63  }
0x58: {  	s30 =	sadd.s32 s21, s14  }
0x59: {  	[hbm4b:s30+s3] =	stream.linear.scatter [tilespmem:s22], [sflag:$0xA], $0x2000, $0x38;
	[tilespmem:$0x10000] =	vst v63  }
0x5a: {  	s21 =	sadd.s32 s21, s15  }
0x5b: {  	[hbm4b:s21+s3] =	stream.linear.scatter [tilespmem:s22], [sflag:$0xA], $0x2000, $0x38;
	[tilespmem:$0x10000] =	vst v63  }
0x5c: {  	_ =	swait.ge [sflag:s0], $0x2000  }
0x5d: {  	s21 =	sor.u32 $0x800, s20;
	[sflag:s0] =	ssyncset.done $0x0  }
0x5e: {  	s30 =	sadd.s32 s2, s21;
	[sflag:s0] =	ssyncadd.s32 $0xFFFFE000  }
0x5f: {  	[hbm4b:s30+s3] =	stream.linear.scatter [tilespmem:s23], [sflag:$0xB], $0x2000, $0x38;
	[tilespmem:$0x10000] =	vst v63  }
0x60: {  	s30 =	sadd.s32 s21, s13  }
0x61: {  	[hbm4b:s30+s3] =	stream.linear.scatter [tilespmem:s23], [sflag:$0xB], $0x2000, $0x38;
	[tilespmem:$0x10000] =	vst v63  }
0x62: {  	s30 =	sadd.s32 s21, s14  }
0x63: {  	[hbm4b:s30+s3] =	stream.linear.scatter [tilespmem:s23], [sflag:$0xB], $0x2000, $0x38;
	[tilespmem:$0x10000] =	vst v63  }
0x64: {  	s21 =	sadd.s32 s21, s15  }
0x65: {  	[hbm4b:s21+s3] =	stream.linear.scatter [tilespmem:s23], [sflag:$0xB], $0x2000, $0x38;
	[tilespmem:$0x10000] =	vst v63  }
0x66: {  	_ =	swait.ge [sflag:s1], $0x2000  }
0x67: {  	s21 =	sor.u32 $0xC00, s20;
	[sflag:s1] =	ssyncset.done $0x0  }
0x68: {  	s30 =	sadd.s32 s2, s21;
	[sflag:s1] =	ssyncadd.s32 $0xFFFFE000  }
0x69: {  	[hbm4b:s30+s3] =	stream.linear.scatter [tilespmem:s24], [sflag:$0xC], $0x2000, $0x38;
	[tilespmem:$0x10000] =	vst v63  }
0x6a: {  	s30 =	sadd.s32 s21, s13  }
0x6b: {  	[hbm4b:s30+s3] =	stream.linear.scatter [tilespmem:s24], [sflag:$0xC], $0x2000, $0x38;
	[tilespmem:$0x10000] =	vst v63  }
0x6c: {  	s30 =	sadd.s32 s21, s14  }
0x6d: {  	[hbm4b:s30+s3] =	stream.linear.scatter [tilespmem:s24], [sflag:$0xC], $0x2000, $0x38;
	[tilespmem:$0x10000] =	vst v63  }
0x6e: {  	s21 =	sadd.s32 s21, s15  }
0x6f: {  	[hbm4b:s21+s3] =	stream.linear.scatter [tilespmem:s24], [sflag:$0xC], $0x2000, $0x38;
	[tilespmem:$0x10000] =	vst v63  }
0x70: {  	_ =	swait.ge [sflag:s6], $0x2000  }
0x71: {  	s21 =	sor.u32 $0x1000, s20;
	[sflag:s6] =	ssyncset.done $0x0  }
0x72: {  	s30 =	sadd.s32 s2, s21;
	[sflag:s6] =	ssyncadd.s32 $0xFFFFE000  }
0x73: {  	[hbm4b:s30+s3] =	stream.linear.scatter [tilespmem:s25], [sflag:$0xD], $0x2000, $0x38;
	[tilespmem:$0x10000] =	vst v63  }
0x74: {  	s30 =	sadd.s32 s21, s13  }
0x75: {  	[hbm4b:s30+s3] =	stream.linear.scatter [tilespmem:s25], [sflag:$0xD], $0x2000, $0x38;
	[tilespmem:$0x10000] =	vst v63  }
0x76: {  	s30 =	sadd.s32 s21, s14  }
0x77: {  	[hbm4b:s30+s3] =	stream.linear.scatter [tilespmem:s25], [sflag:$0xD], $0x2000, $0x38;
	[tilespmem:$0x10000] =	vst v63  }
0x78: {  	s21 =	sadd.s32 s21, s15  }
0x79: {  	[hbm4b:s21+s3] =	stream.linear.scatter [tilespmem:s25], [sflag:$0xD], $0x2000, $0x38;
	[tilespmem:$0x10000] =	vst v63  }
0x7a: {  	_ =	swait.ge [sflag:s7], $0x2000  }
0x7b: {  	s21 =	sor.u32 $0x1400, s20;
	[sflag:s7] =	ssyncset.done $0x0  }
0x7c: {  	s30 =	sadd.s32 s2, s21;
	[sflag:s7] =	ssyncadd.s32 $0xFFFFE000  }
0x7d: {  	[hbm4b:s30+s3] =	stream.linear.scatter [tilespmem:s26], [sflag:$0xE], $0x2000, $0x38;
	[tilespmem:$0x10000] =	vst v63  }
0x7e: {  	s30 =	sadd.s32 s21, s13  }
0x7f: {  	[hbm4b:s30+s3] =	stream.linear.scatter [tilespmem:s26], [sflag:$0xE], $0x2000, $0x38;
	[tilespmem:$0x10000] =	vst v63  }
0x80: {  	s30 =	sadd.s32 s21, s14  }
0x81: {  	[hbm4b:s30+s3] =	stream.linear.scatter [tilespmem:s26], [sflag:$0xE], $0x2000, $0x38;
	[tilespmem:$0x10000] =	vst v63  }
0x82: {  	s21 =	sadd.s32 s21, s15  }
0x83: {  	[hbm4b:s21+s3] =	stream.linear.scatter [tilespmem:s26], [sflag:$0xE], $0x2000, $0x38;
	[tilespmem:$0x10000] =	vst v63  }
0x84: {  	_ =	swait.ge [sflag:s8], $0x2000  }
0x85: {  	s21 =	sor.u32 $0x1800, s20;
	[sflag:s8] =	ssyncset.done $0x0  }
0x86: {  	s30 =	sadd.s32 s2, s21;
	[sflag:s8] =	ssyncadd.s32 $0xFFFFE000  }
0x87: {  	[hbm4b:s30+s3] =	stream.linear.scatter [tilespmem:s28], [sflag:$0xF], $0x2000, $0x38;
	[tilespmem:$0x10000] =	vst v63  }
0x88: {  	s30 =	sadd.s32 s21, s13  }
0x89: {  	[hbm4b:s30+s3] =	stream.linear.scatter [tilespmem:s28], [sflag:$0xF], $0x2000, $0x38;
	[tilespmem:$0x10000] =	vst v63  }
0x8a: {  	s30 =	sadd.s32 s21, s14  }
0x8b: {  	[hbm4b:s30+s3] =	stream.linear.scatter [tilespmem:s28], [sflag:$0xF], $0x2000, $0x38;
	[tilespmem:$0x10000] =	vst v63  }
0x8c: {  	s21 =	sadd.s32 s21, s15  }
0x8d: {  	[hbm4b:s21+s3] =	stream.linear.scatter [tilespmem:s28], [sflag:$0xF], $0x2000, $0x38;
	[tilespmem:$0x10000] =	vst v63  }
0x8e: {  	_ =	swait.ge [sflag:s9], $0x2000  }
0x8f: {  	s20 =	sor.u32 $0x1C00, s20;
	[sflag:s9] =	ssyncset.done $0x0  }
0x90: {  	s30 =	sadd.s32 s2, s20;
	[sflag:s9] =	ssyncadd.s32 $0xFFFFE000  }
0x91: {  	[hbm4b:s30+s3] =	stream.linear.scatter [tilespmem:s29], [sflag:$0x10], $0x2000, $0x38;
	[tilespmem:$0x10000] =	vst v63  }
0x92: {  	s30 =	sadd.s32 s20, s13  }
0x93: {  	[hbm4b:s30+s3] =	stream.linear.scatter [tilespmem:s29], [sflag:$0x10], $0x2000, $0x38;
	[tilespmem:$0x10000] =	vst v63  }
0x94: {  	p0 =	seq.s32 s19, $0x6000;
	s30 =	sadd.s32 s20, s14  }
0x95: {  	[hbm4b:s30+s3] =	stream.linear.scatter [tilespmem:s29], [sflag:$0x10], $0x2000, $0x38;
	[tilespmem:$0x10000] =	vst v63  }
.Ltmp2:
0x96: {  	s20 =	sadd.s32 s20, s15;
	(pc) =	sbr.rel @p0 .LBB2_4-.Ltmp2, $4  }
0x97: {  	[hbm4b:s20+s3] =	stream.linear.scatter [tilespmem:s29], [sflag:$0x10], $0x2000, $0x38;
	[tilespmem:$0x10000] =	vst v63  }
0x98: {  	_ =	swait.ge [sflag:s10], $0x8000  }
0x99: {  	[sflag:s10] =	ssyncset.done $0x0  }
0x9a: {  	[sflag:s10] =	ssyncadd.s32 $0xFFFF8000  }
0x9b: {  	s20 =	rddreg [dreg:$0x10]  }
0x9c: {  	s20 =	sadd.s32 s19, s20  }
0x9d: {  	[tilespmem:s3], [sflag:$0x1] =	stream.linear.gather [hbm4b:s20+s3], $0x2000, $0x38;
	[tilespmem:$0x10000] =	vst v63  }
0x9e: {  	_ =	swait.ge [sflag:s11], $0x8000  }
0x9f: {  	s21 =	rddreg [dreg:$0x4]  }
0xa0: {  	[sflag:s11] =	ssyncset.done $0x0;
	s20 =	sadd.s32 s19, s21  }
0xa1: {  	[sflag:s11] =	ssyncadd.s32 $0xFFFF8000;
	s21 =	sadd.s32 $0x2400, s20  }
0xa2: {  	[tilespmem:s22], [sflag:$0x2] =	stream.linear.gather [hbm4b:s21+s3], $0x2000, $0x38;
	[tilespmem:$0x10000] =	vst v63  }
0xa3: {  	_ =	swait.ge [sflag:s12], $0x8000  }
0xa4: {  	[sflag:s12] =	ssyncset.done $0x0;
	s30 =	rddreg [dreg:$0xf]  }
0xa5: {  	[sflag:s12] =	ssyncadd.s32 $0xFFFF8000;
	s21 =	sadd.s32 s19, s30  }
0xa6: {  	[tilespmem:s23], [sflag:$0x3] =	stream.linear.gather [hbm4b:s21+s3], $0x2000, $0x38;
	[tilespmem:$0x10000] =	vst v63  }
0xa7: {  	_ =	swait.ge [sflag:s16], $0x8000  }
0xa8: {  	[sflag:s16] =	ssyncset.done $0x0  }
0xa9: {  	s30 =	sadd.s32 $0x2C00, s20;
	[sflag:s16] =	ssyncadd.s32 $0xFFFF8000  }
0xaa: {  	[tilespmem:s24], [sflag:$0x4] =	stream.linear.gather [hbm4b:s30+s3], $0x2000, $0x38;
	[tilespmem:$0x10000] =	vst v63  }
0xab: {  	_ =	swait.ge [sflag:s4], $0x8000  }
0xac: {  	[sflag:s4] =	ssyncset.done $0x0;
	s30 =	rddreg [dreg:$0xe]  }
0xad: {  	[sflag:s4] =	ssyncadd.s32 $0xFFFF8000;
	s21 =	sadd.s32 s19, s30  }
0xae: {  	[tilespmem:s25], [sflag:$0x5] =	stream.linear.gather [hbm4b:s21+s3], $0x2000, $0x38;
	[tilespmem:$0x10000] =	vst v63  }
0xaf: {  	_ =	swait.ge [sflag:s5], $0x8000  }
0xb0: {  	[sflag:s5] =	ssyncset.done $0x0  }
0xb1: {  	s30 =	sadd.s32 $0x3400, s20;
	[sflag:s5] =	ssyncadd.s32 $0xFFFF8000  }
0xb2: {  	[tilespmem:s26], [sflag:$0x6] =	stream.linear.gather [hbm4b:s30+s3], $0x2000, $0x38;
	[tilespmem:$0x10000] =	vst v63  }
0xb3: {  	_ =	swait.ge [sflag:s17], $0x8000  }
0xb4: {  	[sflag:s17] =	ssyncset.done $0x0;
	s30 =	rddreg [dreg:$0xd]  }
0xb5: {  	[sflag:s17] =	ssyncadd.s32 $0xFFFF8000;
	s21 =	sadd.s32 s19, s30  }
0xb6: {  	[tilespmem:s28], [sflag:$0x7] =	stream.linear.gather [hbm4b:s21+s3], $0x2000, $0x38;
	[tilespmem:$0x10000] =	vst v63  }
.Ltmp3:
0xb7: {  	_ = 	snop;
	(pc) =	sbr.rel .LBB2_2-.Ltmp3, $4  }
0xb8: {  	_ =	swait.ge [sflag:s18], $0x8000  }
0xb9: {  	[sflag:s18] =	ssyncset.done $0x0  }
0xba: {  	s20 =	sadd.s32 $0x3C00, s20;
	s19 =	sadd.s32 $0x2000, s19;
	[sflag:s18] =	ssyncadd.s32 $0xFFFF8000  }
0xbb: {  	[tilespmem:s29], [sflag:$0x8] =	stream.linear.gather [hbm4b:s20+s3], $0x2000, $0x38;
	[tilespmem:$0x10000] =	vst v63  }
.LBB2_5:
0xbc: {  	_ =	sfence.sel $0x180000  }
0xbd: {  	[bflag:$0x0] =	sbarrier.arrive $0xFFFF  }
0xbe: {  	_ =	strace $0x90000047  }
0xbf: {  	s0 =	stileid.u32;
	[bflag:$0x2] =	sbarrier.arrive $0xFFFF  }
0xc0: {  	p0 =	sne.s32 s0, $0x0;
	s0 =	rddreg [dreg:$0x2]  }
0xc1: {  	s0 =	sadd.s32 @!p0 $0x100000, s0  }
0xc2: {  	[sflag:s0] =	ssyncadd.tile.s32 @!p0 $0x1;
	_ =	shalt  }
.Lfunc_end2:
_tile_overlayer_lowered:
.L_overlay_start_2:
0xc3: {  	(tag) =	ssettag $0x2  }
0xc4: {  	s0 =	rddreg [dreg:$0x0];
	s2 =	stileid.u32  }
0xc5: {  	s1 =	rddreg [dreg:$0x1];
	p0 =	sne.s32 s2, $0x0  }
0xc6: {  	s3 =	rddreg [dreg:$0x2];
	[bflag:$0x3] =	sbarrier.arrive $0xFFFF;
	s2 =	simm.s32 @!p0 $0x1C11  }
0xc7: {  	[timem:s3], [sflag:s2] =	dma.local @!p0 [hbm:s0], s1  }
0xc8: {  	s0 =	simm.s32 @!p0 $0x11  }
0xc9: {  	_ =	swait.ge @!p0 [sflag:s0], s1  }
0xca: {  	s1 =	ssub.s32 @!p0 $0x0, s1;
	[sflag:s0] =	ssyncset.done @!p0 $0x0  }
0xcb: {  	[sflag:s0] =	ssyncadd.s32 @!p0 s1  }
0xcc: {  	[bflag:$0x3] =	sbarrier.arrive $0xFFFF  }
0xcd: {  	_ =	shalt  }

</sc_bundles>
